<compile_context>
chip_gen: v7x
topology: tpu7x:2x2x1
jax: 0.10.2.dev20260603
libtpu: 0.0.44.dev20260713+nightly
codegen_flags: <defaults>
</compile_context>

<pallas_src>
import functools

import jax
import jax.numpy as jnp
from jax import lax
from jax.experimental import pallas as pl
from jax.experimental.pallas import tpu as pltpu
from jax.experimental.pallas import tpu_sc as plsc

Q, D = 16384, 384
C, M = 1000, 10
K = 392
TQ = 1024
CB = 200

NW = 32
RPW = Q // NW
RG = 16
NG = RPW // RG


def _means_body(ex_ref, a_ref):
    e = ex_ref[...]
    n = jnp.sqrt(jnp.sum(e * e, axis=-1, keepdims=True))
    e = e / jnp.maximum(n, 1e-12)
    m = jnp.mean(e, axis=1)
    mn = jnp.sqrt(jnp.sum(m * m, axis=-1, keepdims=True))
    m = m / jnp.maximum(mn, 1e-12)
    m2 = jnp.sum(m * m, axis=1, keepdims=True)
    a_ref[...] = jnp.concatenate(
        [-2.0 * m,
         jnp.ones((CB, 1), jnp.float32),
         m2,
         jnp.zeros((CB, K - D - 2), jnp.float32)], axis=1)


def _dists_body(q_ref, a_ref, dists_ref):
    q = q_ref[...]
    qn = jnp.sqrt(jnp.sum(q * q, axis=1, keepdims=True))
    q = q / jnp.maximum(qn, 1e-12)
    q2 = jnp.sum(q * q, axis=1, keepdims=True)
    qa = jnp.concatenate(
        [q, q2, jnp.ones((TQ, 1), jnp.float32),
         jnp.zeros((TQ, K - D - 2), jnp.float32)], axis=1)
    sq = lax.dot_general(qa, a_ref[...], (((1,), (1,)), ((), ())),
                         preferred_element_type=jnp.float32)
    dists_ref[...] = jnp.sqrt(jnp.maximum(sq, 0.0) + 1e-12)


def _lane_shuffle(x, perm):
    return lax.gather(
        x, perm[:, None],
        lax.GatherDimensionNumbers(offset_dims=(), collapsed_slice_dims=(0,),
                                   start_index_map=(0,)),
        slice_sizes=(1,), mode=lax.GatherScatterMode.PROMISE_IN_BOUNDS)


def _argmin_sc_body(dists_hbm, preds_hbm, buf0, idxbuf):
    wid = lax.axis_index("s") * 2 + lax.axis_index("c")
    base = wid * RPW
    lane = lax.iota(jnp.int32, 16)
    offs = tuple(k * 16 for k in range(C // 16)) + (C - 16,)

    def outer(g, carry):
        pltpu.sync_copy(dists_hbm.at[pl.ds(base + g * RG, RG)], buf0)

        def row(r, pvec):
            rm = jnp.full((16,), 3.4e38, jnp.float32)
            ri = jnp.zeros((16,), jnp.int32)
            for off in offs:
                v = buf0[r, pl.ds(off, 16)]
                cv = lane + off
                lt = v < rm
                rm = jnp.where(lt, v, rm)
                ri = jnp.where(lt, cv, ri)
            for s in (1, 2, 4, 8):
                perm = lane ^ s
                orm = _lane_shuffle(rm, perm)
                ori = _lane_shuffle(ri, perm)
                sel = jnp.logical_or(
                    orm < rm, jnp.logical_and(orm == rm, ori < ri))
                rm = jnp.where(sel, orm, rm)
                ri = jnp.where(sel, ori, ri)
            return jnp.where(lane == r, ri, pvec)

        pvec = lax.fori_loop(0, RG, row, jnp.zeros((16,), jnp.int32))
        idxbuf[pl.ds(g * RG, RG)] = pvec
        return carry

    lax.fori_loop(0, NG, outer, 0)
    pltpu.sync_copy(idxbuf, preds_hbm.at[pl.ds(base, RPW)])


@functools.partial(jax.jit, static_argnames=("interpret",))
def kernel(queries, exemplar_feats, interpret=False):
    a = pl.pallas_call(
        _means_body,
        grid=(C // CB,),
        in_specs=[pl.BlockSpec((CB, M, D), lambda i: (i, 0, 0))],
        out_specs=pl.BlockSpec((CB, K), lambda i: (i, 0)),
        out_shape=jax.ShapeDtypeStruct((C, K), jnp.float32),
        compiler_params=pltpu.CompilerParams(
            dimension_semantics=("parallel",)),
        interpret=interpret,
    )(exemplar_feats)

    dists = pl.pallas_call(
        _dists_body,
        grid=(Q // TQ,),
        in_specs=[
            pl.BlockSpec((TQ, D), lambda i: (i, 0)),
            pl.BlockSpec((C, K), lambda i: (0, 0)),
        ],
        out_specs=pl.BlockSpec((TQ, C), lambda i: (i, 0)),
        out_shape=jax.ShapeDtypeStruct((Q, C), jnp.float32),
        compiler_params=pltpu.CompilerParams(
            dimension_semantics=("arbitrary",)),
        interpret=interpret,
    )(queries, a)

    preds = pl.kernel(
        _argmin_sc_body,
        mesh=plsc.VectorSubcoreMesh(core_axis_name="c", subcore_axis_name="s"),
        out_type=jax.ShapeDtypeStruct((Q,), jnp.int32),
        compiler_params=pltpu.CompilerParams(use_tc_tiling_on_sc=False),
        scratch_types=[
            pltpu.VMEM((RG, C), jnp.float32),
            pltpu.VMEM((RPW,), jnp.int32),
        ],
    )(dists)
    return dists, preds

# --- scband reference (transcript-rebuilt; emitter-appended) ---
"""Pipeline reference for scband-icarl-23132693856771 (READ-ONLY COPY).

The authoritative reference and input builder live on the scoring server;
editing this copy changes nothing except your own understanding.
"""

import jax, jax.numpy as jnp
import numpy as np


def _l2norm(x, axis=-1, eps=1e-12):
    # faithful to torch.nn.functional.normalize(p=2): divide by clamped L2 norm
    n = jnp.sqrt(jnp.sum(x * x, axis=axis, keepdims=True))
    return x / jnp.maximum(n, eps)


def setup_inputs(seed: int = 0) -> dict:
    key = jax.random.key(seed)
    k1, k2 = jax.random.split(key)
    queries = jax.random.normal(k1, (16384, 384), dtype=jnp.float32)
    exemplar_feats = jax.random.normal(k2, (1000, 10, 384), dtype=jnp.float32)
    return {"queries": queries, "exemplar_feats": exemplar_feats}


def reference(queries, exemplar_feats):
    # classify_nme: Nearest-Mean-of-Exemplars classification (iCaRL Algorithm 1 / Eq. 2)
    # queries: backbone features of query batch [Q, d]
    # exemplar_feats: backbone features of stored exemplars [C, m, d]
    q = _l2norm(queries, axis=1)                      # F.normalize(query_features)
    ex = _l2norm(exemplar_feats, axis=-1)             # F.normalize(ex_feats) per class
    class_mean = jnp.mean(ex, axis=1)                 # mean over exemplars -> [C, d]
    class_mean = _l2norm(class_mean, axis=1)          # re-normalize means
    # torch.cdist(q, means): Euclidean pairwise distances [Q, C]
    q2 = jnp.sum(q * q, axis=1, keepdims=True)        # [Q, 1]
    m2 = jnp.sum(class_mean * class_mean, axis=1)[None, :]  # [1, C]
    sq = q2 + m2 - 2.0 * (q @ class_mean.T)
    sq = jnp.maximum(sq, 0.0)
    dists = jnp.sqrt(sq + 1e-12)
    preds = jnp.argmin(dists, axis=1)                 # torch.argmin(dists, dim=1)
    return dists, preds

if __name__ == "__main__":
    import jax
    _d = setup_inputs()
    print(jax.jit(kernel)(*tuple(_d.values())))

</pallas_src>

<mosaic_0001>
#map = affine_map<(d0, d1) -> (0, 0)>
#map1 = affine_map<(d0, d1) -> (0)>
module attributes {stable_mosaic.version = 14 : i64} {
  func.func @_argmin_sc_body(%arg0: i32, %arg1: i32, %arg2: memref<16384x1000xf32, #tpu.memory_space<hbm>>, %arg3: memref<16384xi32, #tpu.memory_space<hbm>>, %arg4: memref<16x1000xf32, #tpu.memory_space<vmem>>, %arg5: memref<512xi32, #tpu.memory_space<vmem>>) attributes {dimension_semantics = [#tpu.dimension_semantics<core_parallel>, #tpu.dimension_semantics<subcore_parallel>], iteration_bounds = array<i64: 2, 16>, scalar_prefetch = 0 : i64, scratch_operands = 2 : i64, tpu.core_type = #tpu.core_type<sc_vector_subcore>, window_params = [{transform_indices = #map}, {transform_indices = #map1}]} {
    %mul3A = arith.constant 2 : i32
    %mul3A_0 = arith.muli %arg1, %mul3A : i32
    %add3A = arith.addi %mul3A_0, %arg0 : i32
    %mul3A_1 = arith.constant 512 : i32
    %mul3A_2 = arith.muli %add3A, %mul3A_1 : i32
    %iota3A = tpu.iota {dimensions = array<i32: 0>} : vector<16xi32>
    %scan3A = arith.constant 0 : i32
    %scan3A_3 = arith.constant 0 : i32
    %scan3A_4 = arith.constant 32 : i32
    %scan3A_5 = arith.addi %scan3A_3, %scan3A_4 : i32
    %scan3A_6 = arith.constant 1 : i32
    scf.for %scan3A_8 = %scan3A_3 to %scan3A_5 step %scan3A_6  : i32 {
      %mul3A_9 = arith.constant 16 : i32
      %mul3A_10 = arith.muli %scan3A_8, %mul3A_9 : i32
      %add3A_11 = arith.addi %mul3A_2, %mul3A_10 : i32
      "tpu.region"() ({
        %run_scoped3A = tpu.sem_alloc : memref<!tpu.dma_semaphore, #tpu.memory_space<semaphore_mem>>
        %dma_start3A = arith.constant 0 : i32
        %dma_start3A_24 = tpu.memref_slice %arg2[%add3A_11, %dma_start3A] : memref<16384x1000xf32, #tpu.memory_space<hbm>> -> memref<16x1000xf32, #tpu.memory_space<hbm>>
        %dma_start3A_25 = arith.constant 0 : i32
        %dma_start3A_26 = tpu.memref_slice %arg2[%add3A_11, %dma_start3A_25] : memref<16384x1000xf32, #tpu.memory_space<hbm>> -> memref<16x1000xf32, #tpu.memory_space<hbm>>
        tpu.enqueue_dma source(%dma_start3A_26 : memref<16x1000xf32, #tpu.memory_space<hbm>>) target(%arg4 : memref<16x1000xf32, #tpu.memory_space<vmem>>) target_semaphore(%run_scoped3A : memref<!tpu.dma_semaphore, #tpu.memory_space<semaphore_mem>>)
        %dma_wait3A = arith.constant 0 : i32
        %dma_wait3A_27 = tpu.memref_slice %arg2[%add3A_11, %dma_wait3A] : memref<16384x1000xf32, #tpu.memory_space<hbm>> -> memref<16x1000xf32, #tpu.memory_space<hbm>>
        %dma_wait3A_28 = arith.constant 0 : i32
        %dma_wait3A_29 = tpu.memref_slice %arg2[%add3A_11, %dma_wait3A_28] : memref<16384x1000xf32, #tpu.memory_space<hbm>> -> memref<16x1000xf32, #tpu.memory_space<hbm>>
        tpu.wait_dma2 semaphore(%run_scoped3A : memref<!tpu.dma_semaphore, #tpu.memory_space<semaphore_mem>>) src(%dma_wait3A_29 : memref<16x1000xf32, #tpu.memory_space<hbm>>) dst(%arg4 : memref<16x1000xf32, #tpu.memory_space<vmem>>)
        tpu.yield
      }) : () -> ()
      %broadcast_in_dim3A = arith.constant 0 : i32
      %broadcast_in_dim3A_12 = vector.broadcast %broadcast_in_dim3A : i32 to vector<16xi32>
      %scan3A_13 = arith.constant 0 : i32
      %scan3A_14 = arith.constant 16 : i32
      %scan3A_15 = arith.addi %scan3A_13, %scan3A_14 : i32
      %scan3A_16 = arith.constant 1 : i32
      %scan3A_17 = scf.for %scan3A_24 = %scan3A_13 to %scan3A_15 step %scan3A_16 iter_args(%scan3A_25 = %broadcast_in_dim3A_12) -> (vector<16xi32>)  : i32 {
        %broadcast_in_dim3A_26 = arith.constant 3.400000e+38 : f32
        %broadcast_in_dim3A_27 = vector.broadcast %broadcast_in_dim3A_26 : f32 to vector<16xf32>
        %broadcast_in_dim3A_28 = arith.constant 0 : i32
        %broadcast_in_dim3A_29 = vector.broadcast %broadcast_in_dim3A_28 : i32 to vector<16xi32>
        %get3A = arith.index_cast %scan3A_24 : i32 to index
        %get3A_30 = arith.constant 0 : index
        %get3A_31 = tpu.vector_load %arg4[%get3A, %get3A_30] {strides = array<i32>} : memref<16x1000xf32, #tpu.memory_space<vmem>>, vector<1x16xf32>,
        %get3A_32 = vector.shape_cast %get3A_31 : vector<1x16xf32> to vector<16xf32>
        %add3A_33 = arith.constant 0 : i32
        %add3A_34 = vector.broadcast %add3A_33 : i32 to vector<16xi32>
        %add3A_35 = arith.addi %iota3A, %add3A_34 : vector<16xi32>
        %lt3A = arith.cmpf olt, %get3A_32, %broadcast_in_dim3A_27 : vector<16xf32>
        %select_n3A = arith.select %lt3A, %get3A_32, %broadcast_in_dim3A_27 : vector<16xi1>, vector<16xf32>
        %select_n3A_36 = arith.select %lt3A, %add3A_35, %broadcast_in_dim3A_29 : vector<16xi1>, vector<16xi32>
        %get3A_37 = arith.index_cast %scan3A_24 : i32 to index
        %get3A_38 = arith.constant 16 : index
        %get3A_39 = tpu.vector_load %arg4[%get3A_37, %get3A_38] {strides = array<i32>} : memref<16x1000xf32, #tpu.memory_space<vmem>>, vector<1x16xf32>,
        %get3A_40 = vector.shape_cast %get3A_39 : vector<1x16xf32> to vector<16xf32>
        %add3A_41 = arith.constant 16 : i32
        %add3A_42 = vector.broadcast %add3A_41 : i32 to vector<16xi32>
        %add3A_43 = arith.addi %iota3A, %add3A_42 : vector<16xi32>
        %lt3A_44 = arith.cmpf olt, %get3A_40, %select_n3A : vector<16xf32>
        %select_n3A_45 = arith.select %lt3A_44, %get3A_40, %select_n3A : vector<16xi1>, vector<16xf32>
        %select_n3A_46 = arith.select %lt3A_44, %add3A_43, %select_n3A_36 : vector<16xi1>, vector<16xi32>
        %get3A_47 = arith.index_cast %scan3A_24 : i32 to index
        %get3A_48 = arith.constant 32 : index
        %get3A_49 = tpu.vector_load %arg4[%get3A_47, %get3A_48] {strides = array<i32>} : memref<16x1000xf32, #tpu.memory_space<vmem>>, vector<1x16xf32>,
        %get3A_50 = vector.shape_cast %get3A_49 : vector<1x16xf32> to vector<16xf32>
        %add3A_51 = arith.constant 32 : i32
        %add3A_52 = vector.broadcast %add3A_51 : i32 to vector<16xi32>
        %add3A_53 = arith.addi %iota3A, %add3A_52 : vector<16xi32>
        %lt3A_54 = arith.cmpf olt, %get3A_50, %select_n3A_45 : vector<16xf32>
        %select_n3A_55 = arith.select %lt3A_54, %get3A_50, %select_n3A_45 : vector<16xi1>, vector<16xf32>
        %select_n3A_56 = arith.select %lt3A_54, %add3A_53, %select_n3A_46 : vector<16xi1>, vector<16xi32>
        %get3A_57 = arith.index_cast %scan3A_24 : i32 to index
        %get3A_58 = arith.constant 48 : index
        %get3A_59 = tpu.vector_load %arg4[%get3A_57, %get3A_58] {strides = array<i32>} : memref<16x1000xf32, #tpu.memory_space<vmem>>, vector<1x16xf32>,
        %get3A_60 = vector.shape_cast %get3A_59 : vector<1x16xf32> to vector<16xf32>
        %add3A_61 = arith.constant 48 : i32
        %add3A_62 = vector.broadcast %add3A_61 : i32 to vector<16xi32>
        %add3A_63 = arith.addi %iota3A, %add3A_62 : vector<16xi32>
        %lt3A_64 = arith.cmpf olt, %get3A_60, %select_n3A_55 : vector<16xf32>
        %select_n3A_65 = arith.select %lt3A_64, %get3A_60, %select_n3A_55 : vector<16xi1>, vector<16xf32>
        %select_n3A_66 = arith.select %lt3A_64, %add3A_63, %select_n3A_56 : vector<16xi1>, vector<16xi32>
        %get3A_67 = arith.index_cast %scan3A_24 : i32 to index
        %get3A_68 = arith.constant 64 : index
        %get3A_69 = tpu.vector_load %arg4[%get3A_67, %get3A_68] {strides = array<i32>} : memref<16x1000xf32, #tpu.memory_space<vmem>>, vector<1x16xf32>,
        %get3A_70 = vector.shape_cast %get3A_69 : vector<1x16xf32> to vector<16xf32>
        %add3A_71 = arith.constant 64 : i32
        %add3A_72 = vector.broadcast %add3A_71 : i32 to vector<16xi32>
        %add3A_73 = arith.addi %iota3A, %add3A_72 : vector<16xi32>
        %lt3A_74 = arith.cmpf olt, %get3A_70, %select_n3A_65 : vector<16xf32>
        %select_n3A_75 = arith.select %lt3A_74, %get3A_70, %select_n3A_65 : vector<16xi1>, vector<16xf32>
        %select_n3A_76 = arith.select %lt3A_74, %add3A_73, %select_n3A_66 : vector<16xi1>, vector<16xi32>
        %get3A_77 = arith.index_cast %scan3A_24 : i32 to index
        %get3A_78 = arith.constant 80 : index
        %get3A_79 = tpu.vector_load %arg4[%get3A_77, %get3A_78] {strides = array<i32>} : memref<16x1000xf32, #tpu.memory_space<vmem>>, vector<1x16xf32>,
        %get3A_80 = vector.shape_cast %get3A_79 : vector<1x16xf32> to vector<16xf32>
        %add3A_81 = arith.constant 80 : i32
        %add3A_82 = vector.broadcast %add3A_81 : i32 to vector<16xi32>
        %add3A_83 = arith.addi %iota3A, %add3A_82 : vector<16xi32>
        %lt3A_84 = arith.cmpf olt, %get3A_80, %select_n3A_75 : vector<16xf32>
        %select_n3A_85 = arith.select %lt3A_84, %get3A_80, %select_n3A_75 : vector<16xi1>, vector<16xf32>
        %select_n3A_86 = arith.select %lt3A_84, %add3A_83, %select_n3A_76 : vector<16xi1>, vector<16xi32>
        %get3A_87 = arith.index_cast %scan3A_24 : i32 to index
        %get3A_88 = arith.constant 96 : index
        %get3A_89 = tpu.vector_load %arg4[%get3A_87, %get3A_88] {strides = array<i32>} : memref<16x1000xf32, #tpu.memory_space<vmem>>, vector<1x16xf32>,
        %get3A_90 = vector.shape_cast %get3A_89 : vector<1x16xf32> to vector<16xf32>
        %add3A_91 = arith.constant 96 : i32
        %add3A_92 = vector.broadcast %add3A_91 : i32 to vector<16xi32>
        %add3A_93 = arith.addi %iota3A, %add3A_92 : vector<16xi32>
        %lt3A_94 = arith.cmpf olt, %get3A_90, %select_n3A_85 : vector<16xf32>
        %select_n3A_95 = arith.select %lt3A_94, %get3A_90, %select_n3A_85 : vector<16xi1>, vector<16xf32>
        %select_n3A_96 = arith.select %lt3A_94, %add3A_93, %select_n3A_86 : vector<16xi1>, vector<16xi32>
        %get3A_97 = arith.index_cast %scan3A_24 : i32 to index
        %get3A_98 = arith.constant 112 : index
        %get3A_99 = tpu.vector_load %arg4[%get3A_97, %get3A_98] {strides = array<i32>} : memref<16x1000xf32, #tpu.memory_space<vmem>>, vector<1x16xf32>,
        %get3A_100 = vector.shape_cast %get3A_99 : vector<1x16xf32> to vector<16xf32>
        %add3A_101 = arith.constant 112 : i32
        %add3A_102 = vector.broadcast %add3A_101 : i32 to vector<16xi32>
        %add3A_103 = arith.addi %iota3A, %add3A_102 : vector<16xi32>
        %lt3A_104 = arith.cmpf olt, %get3A_100, %select_n3A_95 : vector<16xf32>
        %select_n3A_105 = arith.select %lt3A_104, %get3A_100, %select_n3A_95 : vector<16xi1>, vector<16xf32>
        %select_n3A_106 = arith.select %lt3A_104, %add3A_103, %select_n3A_96 : vector<16xi1>, vector<16xi32>
        %get3A_107 = arith.index_cast %scan3A_24 : i32 to index
        %get3A_108 = arith.constant 128 : index
        %get3A_109 = tpu.vector_load %arg4[%get3A_107, %get3A_108] {strides = array<i32>} : memref<16x1000xf32, #tpu.memory_space<vmem>>, vector<1x16xf32>,
        %get3A_110 = vector.shape_cast %get3A_109 : vector<1x16xf32> to vector<16xf32>
        %add3A_111 = arith.constant 128 : i32
        %add3A_112 = vector.broadcast %add3A_111 : i32 to vector<16xi32>
        %add3A_113 = arith.addi %iota3A, %add3A_112 : vector<16xi32>
        %lt3A_114 = arith.cmpf olt, %get3A_110, %select_n3A_105 : vector<16xf32>
        %select_n3A_115 = arith.select %lt3A_114, %get3A_110, %select_n3A_105 : vector<16xi1>, vector<16xf32>
        %select_n3A_116 = arith.select %lt3A_114, %add3A_113, %select_n3A_106 : vector<16xi1>, vector<16xi32>
        %get3A_117 = arith.index_cast %scan3A_24 : i32 to index
        %get3A_118 = arith.constant 144 : index
        %get3A_119 = tpu.vector_load %arg4[%get3A_117, %get3A_118] {strides = array<i32>} : memref<16x1000xf32, #tpu.memory_space<vmem>>, vector<1x16xf32>,
        %get3A_120 = vector.shape_cast %get3A_119 : vector<1x16xf32> to vector<16xf32>
        %add3A_121 = arith.constant 144 : i32
        %add3A_122 = vector.broadcast %add3A_121 : i32 to vector<16xi32>
        %add3A_123 = arith.addi %iota3A, %add3A_122 : vector<16xi32>
        %lt3A_124 = arith.cmpf olt, %get3A_120, %select_n3A_115 : vector<16xf32>
        %select_n3A_125 = arith.select %lt3A_124, %get3A_120, %select_n3A_115 : vector<16xi1>, vector<16xf32>
        %select_n3A_126 = arith.select %lt3A_124, %add3A_123, %select_n3A_116 : vector<16xi1>, vector<16xi32>
        %get3A_127 = arith.index_cast %scan3A_24 : i32 to index
        %get3A_128 = arith.constant 160 : index
        %get3A_129 = tpu.vector_load %arg4[%get3A_127, %get3A_128] {strides = array<i32>} : memref<16x1000xf32, #tpu.memory_space<vmem>>, vector<1x16xf32>,
        %get3A_130 = vector.shape_cast %get3A_129 : vector<1x16xf32> to vector<16xf32>
        %add3A_131 = arith.constant 160 : i32
        %add3A_132 = vector.broadcast %add3A_131 : i32 to vector<16xi32>
        %add3A_133 = arith.addi %iota3A, %add3A_132 : vector<16xi32>
        %lt3A_134 = arith.cmpf olt, %get3A_130, %select_n3A_125 : vector<16xf32>
        %select_n3A_135 = arith.select %lt3A_134, %get3A_130, %select_n3A_125 : vector<16xi1>, vector<16xf32>
        %select_n3A_136 = arith.select %lt3A_134, %add3A_133, %select_n3A_126 : vector<16xi1>, vector<16xi32>
        %get3A_137 = arith.index_cast %scan3A_24 : i32 to index
        %get3A_138 = arith.constant 176 : index
        %get3A_139 = tpu.vector_load %arg4[%get3A_137, %get3A_138] {strides = array<i32>} : memref<16x1000xf32, #tpu.memory_space<vmem>>, vector<1x16xf32>,
        %get3A_140 = vector.shape_cast %get3A_139 : vector<1x16xf32> to vector<16xf32>
        %add3A_141 = arith.constant 176 : i32
        %add3A_142 = vector.broadcast %add3A_141 : i32 to vector<16xi32>
        %add3A_143 = arith.addi %iota3A, %add3A_142 : vector<16xi32>
        %lt3A_144 = arith.cmpf olt, %get3A_140, %select_n3A_135 : vector<16xf32>
        %select_n3A_145 = arith.select %lt3A_144, %get3A_140, %select_n3A_135 : vector<16xi1>, vector<16xf32>
        %select_n3A_146 = arith.select %lt3A_144, %add3A_143, %select_n3A_136 : vector<16xi1>, vector<16xi32>
        %get3A_147 = arith.index_cast %scan3A_24 : i32 to index
        %get3A_148 = arith.constant 192 : index
        %get3A_149 = tpu.vector_load %arg4[%get3A_147, %get3A_148] {strides = array<i32>} : memref<16x1000xf32, #tpu.memory_space<vmem>>, vector<1x16xf32>,
        %get3A_150 = vector.shape_cast %get3A_149 : vector<1x16xf32> to vector<16xf32>
        %add3A_151 = arith.constant 192 : i32
        %add3A_152 = vector.broadcast %add3A_151 : i32 to vector<16xi32>
        %add3A_153 = arith.addi %iota3A, %add3A_152 : vector<16xi32>
        %lt3A_154 = arith.cmpf olt, %get3A_150, %select_n3A_145 : vector<16xf32>
        %select_n3A_155 = arith.select %lt3A_154, %get3A_150, %select_n3A_145 : vector<16xi1>, vector<16xf32>
        %select_n3A_156 = arith.select %lt3A_154, %add3A_153, %select_n3A_146 : vector<16xi1>, vector<16xi32>
        %get3A_157 = arith.index_cast %scan3A_24 : i32 to index
        %get3A_158 = arith.constant 208 : index
        %get3A_159 = tpu.vector_load %arg4[%get3A_157, %get3A_158] {strides = array<i32>} : memref<16x1000xf32, #tpu.memory_space<vmem>>, vector<1x16xf32>,
        %get3A_160 = vector.shape_cast %get3A_159 : vector<1x16xf32> to vector<16xf32>
        %add3A_161 = arith.constant 208 : i32
        %add3A_162 = vector.broadcast %add3A_161 : i32 to vector<16xi32>
        %add3A_163 = arith.addi %iota3A, %add3A_162 : vector<16xi32>
        %lt3A_164 = arith.cmpf olt, %get3A_160, %select_n3A_155 : vector<16xf32>
        %select_n3A_165 = arith.select %lt3A_164, %get3A_160, %select_n3A_155 : vector<16xi1>, vector<16xf32>
        %select_n3A_166 = arith.select %lt3A_164, %add3A_163, %select_n3A_156 : vector<16xi1>, vector<16xi32>
        %get3A_167 = arith.index_cast %scan3A_24 : i32 to index
        %get3A_168 = arith.constant 224 : index
        %get3A_169 = tpu.vector_load %arg4[%get3A_167, %get3A_168] {strides = array<i32>} : memref<16x1000xf32, #tpu.memory_space<vmem>>, vector<1x16xf32>,
        %get3A_170 = vector.shape_cast %get3A_169 : vector<1x16xf32> to vector<16xf32>
        %add3A_171 = arith.constant 224 : i32
        %add3A_172 = vector.broadcast %add3A_171 : i32 to vector<16xi32>
        %add3A_173 = arith.addi %iota3A, %add3A_172 : vector<16xi32>
        %lt3A_174 = arith.cmpf olt, %get3A_170, %select_n3A_165 : vector<16xf32>
        %select_n3A_175 = arith.select %lt3A_174, %get3A_170, %select_n3A_165 : vector<16xi1>, vector<16xf32>
        %select_n3A_176 = arith.select %lt3A_174, %add3A_173, %select_n3A_166 : vector<16xi1>, vector<16xi32>
        %get3A_177 = arith.index_cast %scan3A_24 : i32 to index
        %get3A_178 = arith.constant 240 : index
        %get3A_179 = tpu.vector_load %arg4[%get3A_177, %get3A_178] {strides = array<i32>} : memref<16x1000xf32, #tpu.memory_space<vmem>>, vector<1x16xf32>,
        %get3A_180 = vector.shape_cast %get3A_179 : vector<1x16xf32> to vector<16xf32>
        %add3A_181 = arith.constant 240 : i32
        %add3A_182 = vector.broadcast %add3A_181 : i32 to vector<16xi32>
        %add3A_183 = arith.addi %iota3A, %add3A_182 : vector<16xi32>
        %lt3A_184 = arith.cmpf olt, %get3A_180, %select_n3A_175 : vector<16xf32>
        %select_n3A_185 = arith.select %lt3A_184, %get3A_180, %select_n3A_175 : vector<16xi1>, vector<16xf32>
        %select_n3A_186 = arith.select %lt3A_184, %add3A_183, %select_n3A_176 : vector<16xi1>, vector<16xi32>
        %get3A_187 = arith.index_cast %scan3A_24 : i32 to index
        %get3A_188 = arith.constant 256 : index
        %get3A_189 = tpu.vector_load %arg4[%get3A_187, %get3A_188] {strides = array<i32>} : memref<16x1000xf32, #tpu.memory_space<vmem>>, vector<1x16xf32>,
        %get3A_190 = vector.shape_cast %get3A_189 : vector<1x16xf32> to vector<16xf32>
        %add3A_191 = arith.constant 256 : i32
        %add3A_192 = vector.broadcast %add3A_191 : i32 to vector<16xi32>
        %add3A_193 = arith.addi %iota3A, %add3A_192 : vector<16xi32>
        %lt3A_194 = arith.cmpf olt, %get3A_190, %select_n3A_185 : vector<16xf32>
        %select_n3A_195 = arith.select %lt3A_194, %get3A_190, %select_n3A_185 : vector<16xi1>, vector<16xf32>
        %select_n3A_196 = arith.select %lt3A_194, %add3A_193, %select_n3A_186 : vector<16xi1>, vector<16xi32>
        %get3A_197 = arith.index_cast %scan3A_24 : i32 to index
        %get3A_198 = arith.constant 272 : index
        %get3A_199 = tpu.vector_load %arg4[%get3A_197, %get3A_198] {strides = array<i32>} : memref<16x1000xf32, #tpu.memory_space<vmem>>, vector<1x16xf32>,
        %get3A_200 = vector.shape_cast %get3A_199 : vector<1x16xf32> to vector<16xf32>
        %add3A_201 = arith.constant 272 : i32
        %add3A_202 = vector.broadcast %add3A_201 : i32 to vector<16xi32>
        %add3A_203 = arith.addi %iota3A, %add3A_202 : vector<16xi32>
        %lt3A_204 = arith.cmpf olt, %get3A_200, %select_n3A_195 : vector<16xf32>
        %select_n3A_205 = arith.select %lt3A_204, %get3A_200, %select_n3A_195 : vector<16xi1>, vector<16xf32>
        %select_n3A_206 = arith.select %lt3A_204, %add3A_203, %select_n3A_196 : vector<16xi1>, vector<16xi32>
        %get3A_207 = arith.index_cast %scan3A_24 : i32 to index
        %get3A_208 = arith.constant 288 : index
        %get3A_209 = tpu.vector_load %arg4[%get3A_207, %get3A_208] {strides = array<i32>} : memref<16x1000xf32, #tpu.memory_space<vmem>>, vector<1x16xf32>,
        %get3A_210 = vector.shape_cast %get3A_209 : vector<1x16xf32> to vector<16xf32>
        %add3A_211 = arith.constant 288 : i32
        %add3A_212 = vector.broadcast %add3A_211 : i32 to vector<16xi32>
        %add3A_213 = arith.addi %iota3A, %add3A_212 : vector<16xi32>
        %lt3A_214 = arith.cmpf olt, %get3A_210, %select_n3A_205 : vector<16xf32>
        %select_n3A_215 = arith.select %lt3A_214, %get3A_210, %select_n3A_205 : vector<16xi1>, vector<16xf32>
        %select_n3A_216 = arith.select %lt3A_214, %add3A_213, %select_n3A_206 : vector<16xi1>, vector<16xi32>
        %get3A_217 = arith.index_cast %scan3A_24 : i32 to index
        %get3A_218 = arith.constant 304 : index
        %get3A_219 = tpu.vector_load %arg4[%get3A_217, %get3A_218] {strides = array<i32>} : memref<16x1000xf32, #tpu.memory_space<vmem>>, vector<1x16xf32>,
        %get3A_220 = vector.shape_cast %get3A_219 : vector<1x16xf32> to vector<16xf32>
        %add3A_221 = arith.constant 304 : i32
        %add3A_222 = vector.broadcast %add3A_221 : i32 to vector<16xi32>
        %add3A_223 = arith.addi %iota3A, %add3A_222 : vector<16xi32>
        %lt3A_224 = arith.cmpf olt, %get3A_220, %select_n3A_215 : vector<16xf32>
        %select_n3A_225 = arith.select %lt3A_224, %get3A_220, %select_n3A_215 : vector<16xi1>, vector<16xf32>
        %select_n3A_226 = arith.select %lt3A_224, %add3A_223, %select_n3A_216 : vector<16xi1>, vector<16xi32>
        %get3A_227 = arith.index_cast %scan3A_24 : i32 to index
        %get3A_228 = arith.constant 320 : index
        %get3A_229 = tpu.vector_load %arg4[%get3A_227, %get3A_228] {strides = array<i32>} : memref<16x1000xf32, #tpu.memory_space<vmem>>, vector<1x16xf32>,
        %get3A_230 = vector.shape_cast %get3A_229 : vector<1x16xf32> to vector<16xf32>
        %add3A_231 = arith.constant 320 : i32
        %add3A_232 = vector.broadcast %add3A_231 : i32 to vector<16xi32>
        %add3A_233 = arith.addi %iota3A, %add3A_232 : vector<16xi32>
        %lt3A_234 = arith.cmpf olt, %get3A_230, %select_n3A_225 : vector<16xf32>
        %select_n3A_235 = arith.select %lt3A_234, %get3A_230, %select_n3A_225 : vector<16xi1>, vector<16xf32>
        %select_n3A_236 = arith.select %lt3A_234, %add3A_233, %select_n3A_226 : vector<16xi1>, vector<16xi32>
        %get3A_237 = arith.index_cast %scan3A_24 : i32 to index
        %get3A_238 = arith.constant 336 : index
        %get3A_239 = tpu.vector_load %arg4[%get3A_237, %get3A_238] {strides = array<i32>} : memref<16x1000xf32, #tpu.memory_space<vmem>>, vector<1x16xf32>,
        %get3A_240 = vector.shape_cast %get3A_239 : vector<1x16xf32> to vector<16xf32>
        %add3A_241 = arith.constant 336 : i32
        %add3A_242 = vector.broadcast %add3A_241 : i32 to vector<16xi32>
        %add3A_243 = arith.addi %iota3A, %add3A_242 : vector<16xi32>
        %lt3A_244 = arith.cmpf olt, %get3A_240, %select_n3A_235 : vector<16xf32>
        %select_n3A_245 = arith.select %lt3A_244, %get3A_240, %select_n3A_235 : vector<16xi1>, vector<16xf32>
        %select_n3A_246 = arith.select %lt3A_244, %add3A_243, %select_n3A_236 : vector<16xi1>, vector<16xi32>
        %get3A_247 = arith.index_cast %scan3A_24 : i32 to index
        %get3A_248 = arith.constant 352 : index
        %get3A_249 = tpu.vector_load %arg4[%get3A_247, %get3A_248] {strides = array<i32>} : memref<16x1000xf32, #tpu.memory_space<vmem>>, vector<1x16xf32>,
        %get3A_250 = vector.shape_cast %get3A_249 : vector<1x16xf32> to vector<16xf32>
        %add3A_251 = arith.constant 352 : i32
        %add3A_252 = vector.broadcast %add3A_251 : i32 to vector<16xi32>
        %add3A_253 = arith.addi %iota3A, %add3A_252 : vector<16xi32>
        %lt3A_254 = arith.cmpf olt, %get3A_250, %select_n3A_245 : vector<16xf32>
        %select_n3A_255 = arith.select %lt3A_254, %get3A_250, %select_n3A_245 : vector<16xi1>, vector<16xf32>
        %select_n3A_256 = arith.select %lt3A_254, %add3A_253, %select_n3A_246 : vector<16xi1>, vector<16xi32>
        %get3A_257 = arith.index_cast %scan3A_24 : i32 to index
        %get3A_258 = arith.constant 368 : index
        %get3A_259 = tpu.vector_load %arg4[%get3A_257, %get3A_258] {strides = array<i32>} : memref<16x1000xf32, #tpu.memory_space<vmem>>, vector<1x16xf32>,
        %get3A_260 = vector.shape_cast %get3A_259 : vector<1x16xf32> to vector<16xf32>
        %add3A_261 = arith.constant 368 : i32
        %add3A_262 = vector.broadcast %add3A_261 : i32 to vector<16xi32>
        %add3A_263 = arith.addi %iota3A, %add3A_262 : vector<16xi32>
        %lt3A_264 = arith.cmpf olt, %get3A_260, %select_n3A_255 : vector<16xf32>
        %select_n3A_265 = arith.select %lt3A_264, %get3A_260, %select_n3A_255 : vector<16xi1>, vector<16xf32>
        %select_n3A_266 = arith.select %lt3A_264, %add3A_263, %select_n3A_256 : vector<16xi1>, vector<16xi32>
        %get3A_267 = arith.index_cast %scan3A_24 : i32 to index
        %get3A_268 = arith.constant 384 : index
        %get3A_269 = tpu.vector_load %arg4[%get3A_267, %get3A_268] {strides = array<i32>} : memref<16x1000xf32, #tpu.memory_space<vmem>>, vector<1x16xf32>,
        %get3A_270 = vector.shape_cast %get3A_269 : vector<1x16xf32> to vector<16xf32>
        %add3A_271 = arith.constant 384 : i32
        %add3A_272 = vector.broadcast %add3A_271 : i32 to vector<16xi32>
        %add3A_273 = arith.addi %iota3A, %add3A_272 : vector<16xi32>
        %lt3A_274 = arith.cmpf olt, %get3A_270, %select_n3A_265 : vector<16xf32>
        %select_n3A_275 = arith.select %lt3A_274, %get3A_270, %select_n3A_265 : vector<16xi1>, vector<16xf32>
        %select_n3A_276 = arith.select %lt3A_274, %add3A_273, %select_n3A_266 : vector<16xi1>, vector<16xi32>
        %get3A_277 = arith.index_cast %scan3A_24 : i32 to index
        %get3A_278 = arith.constant 400 : index
        %get3A_279 = tpu.vector_load %arg4[%get3A_277, %get3A_278] {strides = array<i32>} : memref<16x1000xf32, #tpu.memory_space<vmem>>, vector<1x16xf32>,
        %get3A_280 = vector.shape_cast %get3A_279 : vector<1x16xf32> to vector<16xf32>
        %add3A_281 = arith.constant 400 : i32
        %add3A_282 = vector.broadcast %add3A_281 : i32 to vector<16xi32>
        %add3A_283 = arith.addi %iota3A, %add3A_282 : vector<16xi32>
        %lt3A_284 = arith.cmpf olt, %get3A_280, %select_n3A_275 : vector<16xf32>
        %select_n3A_285 = arith.select %lt3A_284, %get3A_280, %select_n3A_275 : vector<16xi1>, vector<16xf32>
        %select_n3A_286 = arith.select %lt3A_284, %add3A_283, %select_n3A_276 : vector<16xi1>, vector<16xi32>
        %get3A_287 = arith.index_cast %scan3A_24 : i32 to index
        %get3A_288 = arith.constant 416 : index
        %get3A_289 = tpu.vector_load %arg4[%get3A_287, %get3A_288] {strides = array<i32>} : memref<16x1000xf32, #tpu.memory_space<vmem>>, vector<1x16xf32>,
        %get3A_290 = vector.shape_cast %get3A_289 : vector<1x16xf32> to vector<16xf32>
        %add3A_291 = arith.constant 416 : i32
        %add3A_292 = vector.broadcast %add3A_291 : i32 to vector<16xi32>
        %add3A_293 = arith.addi %iota3A, %add3A_292 : vector<16xi32>
        %lt3A_294 = arith.cmpf olt, %get3A_290, %select_n3A_285 : vector<16xf32>
        %select_n3A_295 = arith.select %lt3A_294, %get3A_290, %select_n3A_285 : vector<16xi1>, vector<16xf32>
        %select_n3A_296 = arith.select %lt3A_294, %add3A_293, %select_n3A_286 : vector<16xi1>, vector<16xi32>
        %get3A_297 = arith.index_cast %scan3A_24 : i32 to index
        %get3A_298 = arith.constant 432 : index
        %get3A_299 = tpu.vector_load %arg4[%get3A_297, %get3A_298] {strides = array<i32>} : memref<16x1000xf32, #tpu.memory_space<vmem>>, vector<1x16xf32>,
        %get3A_300 = vector.shape_cast %get3A_299 : vector<1x16xf32> to vector<16xf32>
        %add3A_301 = arith.constant 432 : i32
        %add3A_302 = vector.broadcast %add3A_301 : i32 to vector<16xi32>
        %add3A_303 = arith.addi %iota3A, %add3A_302 : vector<16xi32>
        %lt3A_304 = arith.cmpf olt, %get3A_300, %select_n3A_295 : vector<16xf32>
        %select_n3A_305 = arith.select %lt3A_304, %get3A_300, %select_n3A_295 : vector<16xi1>, vector<16xf32>
        %select_n3A_306 = arith.select %lt3A_304, %add3A_303, %select_n3A_296 : vector<16xi1>, vector<16xi32>
        %get3A_307 = arith.index_cast %scan3A_24 : i32 to index
        %get3A_308 = arith.constant 448 : index
        %get3A_309 = tpu.vector_load %arg4[%get3A_307, %get3A_308] {strides = array<i32>} : memref<16x1000xf32, #tpu.memory_space<vmem>>, vector<1x16xf32>,
        %get3A_310 = vector.shape_cast %get3A_309 : vector<1x16xf32> to vector<16xf32>
        %add3A_311 = arith.constant 448 : i32
        %add3A_312 = vector.broadcast %add3A_311 : i32 to vector<16xi32>
        %add3A_313 = arith.addi %iota3A, %add3A_312 : vector<16xi32>
        %lt3A_314 = arith.cmpf olt, %get3A_310, %select_n3A_305 : vector<16xf32>
        %select_n3A_315 = arith.select %lt3A_314, %get3A_310, %select_n3A_305 : vector<16xi1>, vector<16xf32>
        %select_n3A_316 = arith.select %lt3A_314, %add3A_313, %select_n3A_306 : vector<16xi1>, vector<16xi32>
        %get3A_317 = arith.index_cast %scan3A_24 : i32 to index
        %get3A_318 = arith.constant 464 : index
        %get3A_319 = tpu.vector_load %arg4[%get3A_317, %get3A_318] {strides = array<i32>} : memref<16x1000xf32, #tpu.memory_space<vmem>>, vector<1x16xf32>,
        %get3A_320 = vector.shape_cast %get3A_319 : vector<1x16xf32> to vector<16xf32>
        %add3A_321 = arith.constant 464 : i32
        %add3A_322 = vector.broadcast %add3A_321 : i32 to vector<16xi32>
        %add3A_323 = arith.addi %iota3A, %add3A_322 : vector<16xi32>
        %lt3A_324 = arith.cmpf olt, %get3A_320, %select_n3A_315 : vector<16xf32>
        %select_n3A_325 = arith.select %lt3A_324, %get3A_320, %select_n3A_315 : vector<16xi1>, vector<16xf32>
        %select_n3A_326 = arith.select %lt3A_324, %add3A_323, %select_n3A_316 : vector<16xi1>, vector<16xi32>
        %get3A_327 = arith.index_cast %scan3A_24 : i32 to index
        %get3A_328 = arith.constant 480 : index
        %get3A_329 = tpu.vector_load %arg4[%get3A_327, %get3A_328] {strides = array<i32>} : memref<16x1000xf32, #tpu.memory_space<vmem>>, vector<1x16xf32>,
        %get3A_330 = vector.shape_cast %get3A_329 : vector<1x16xf32> to vector<16xf32>
        %add3A_331 = arith.constant 480 : i32
        %add3A_332 = vector.broadcast %add3A_331 : i32 to vector<16xi32>
        %add3A_333 = arith.addi %iota3A, %add3A_332 : vector<16xi32>
        %lt3A_334 = arith.cmpf olt, %get3A_330, %select_n3A_325 : vector<16xf32>
        %select_n3A_335 = arith.select %lt3A_334, %get3A_330, %select_n3A_325 : vector<16xi1>, vector<16xf32>
        %select_n3A_336 = arith.select %lt3A_334, %add3A_333, %select_n3A_326 : vector<16xi1>, vector<16xi32>
        %get3A_337 = arith.index_cast %scan3A_24 : i32 to index
        %get3A_338 = arith.constant 496 : index
        %get3A_339 = tpu.vector_load %arg4[%get3A_337, %get3A_338] {strides = array<i32>} : memref<16x1000xf32, #tpu.memory_space<vmem>>, vector<1x16xf32>,
        %get3A_340 = vector.shape_cast %get3A_339 : vector<1x16xf32> to vector<16xf32>
        %add3A_341 = arith.constant 496 : i32
        %add3A_342 = vector.broadcast %add3A_341 : i32 to vector<16xi32>
        %add3A_343 = arith.addi %iota3A, %add3A_342 : vector<16xi32>
        %lt3A_344 = arith.cmpf olt, %get3A_340, %select_n3A_335 : vector<16xf32>
        %select_n3A_345 = arith.select %lt3A_344, %get3A_340, %select_n3A_335 : vector<16xi1>, vector<16xf32>
        %select_n3A_346 = arith.select %lt3A_344, %add3A_343, %select_n3A_336 : vector<16xi1>, vector<16xi32>
        %get3A_347 = arith.index_cast %scan3A_24 : i32 to index
        %get3A_348 = arith.constant 512 : index
        %get3A_349 = tpu.vector_load %arg4[%get3A_347, %get3A_348] {strides = array<i32>} : memref<16x1000xf32, #tpu.memory_space<vmem>>, vector<1x16xf32>,
        %get3A_350 = vector.shape_cast %get3A_349 : vector<1x16xf32> to vector<16xf32>
        %add3A_351 = arith.constant 512 : i32
        %add3A_352 = vector.broadcast %add3A_351 : i32 to vector<16xi32>
        %add3A_353 = arith.addi %iota3A, %add3A_352 : vector<16xi32>
        %lt3A_354 = arith.cmpf olt, %get3A_350, %select_n3A_345 : vector<16xf32>
        %select_n3A_355 = arith.select %lt3A_354, %get3A_350, %select_n3A_345 : vector<16xi1>, vector<16xf32>
        %select_n3A_356 = arith.select %lt3A_354, %add3A_353, %select_n3A_346 : vector<16xi1>, vector<16xi32>
        %get3A_357 = arith.index_cast %scan3A_24 : i32 to index
        %get3A_358 = arith.constant 528 : index
        %get3A_359 = tpu.vector_load %arg4[%get3A_357, %get3A_358] {strides = array<i32>} : memref<16x1000xf32, #tpu.memory_space<vmem>>, vector<1x16xf32>,
        %get3A_360 = vector.shape_cast %get3A_359 : vector<1x16xf32> to vector<16xf32>
        %add3A_361 = arith.constant 528 : i32
        %add3A_362 = vector.broadcast %add3A_361 : i32 to vector<16xi32>
        %add3A_363 = arith.addi %iota3A, %add3A_362 : vector<16xi32>
        %lt3A_364 = arith.cmpf olt, %get3A_360, %select_n3A_355 : vector<16xf32>
        %select_n3A_365 = arith.select %lt3A_364, %get3A_360, %select_n3A_355 : vector<16xi1>, vector<16xf32>
        %select_n3A_366 = arith.select %lt3A_364, %add3A_363, %select_n3A_356 : vector<16xi1>, vector<16xi32>
        %get3A_367 = arith.index_cast %scan3A_24 : i32 to index
        %get3A_368 = arith.constant 544 : index
        %get3A_369 = tpu.vector_load %arg4[%get3A_367, %get3A_368] {strides = array<i32>} : memref<16x1000xf32, #tpu.memory_space<vmem>>, vector<1x16xf32>,
        %get3A_370 = vector.shape_cast %get3A_369 : vector<1x16xf32> to vector<16xf32>
        %add3A_371 = arith.constant 544 : i32
        %add3A_372 = vector.broadcast %add3A_371 : i32 to vector<16xi32>
        %add3A_373 = arith.addi %iota3A, %add3A_372 : vector<16xi32>
        %lt3A_374 = arith.cmpf olt, %get3A_370, %select_n3A_365 : vector<16xf32>
        %select_n3A_375 = arith.select %lt3A_374, %get3A_370, %select_n3A_365 : vector<16xi1>, vector<16xf32>
        %select_n3A_376 = arith.select %lt3A_374, %add3A_373, %select_n3A_366 : vector<16xi1>, vector<16xi32>
        %get3A_377 = arith.index_cast %scan3A_24 : i32 to index
        %get3A_378 = arith.constant 560 : index
        %get3A_379 = tpu.vector_load %arg4[%get3A_377, %get3A_378] {strides = array<i32>} : memref<16x1000xf32, #tpu.memory_space<vmem>>, vector<1x16xf32>,
        %get3A_380 = vector.shape_cast %get3A_379 : vector<1x16xf32> to vector<16xf32>
        %add3A_381 = arith.constant 560 : i32
        %add3A_382 = vector.broadcast %add3A_381 : i32 to vector<16xi32>
        %add3A_383 = arith.addi %iota3A, %add3A_382 : vector<16xi32>
        %lt3A_384 = arith.cmpf olt, %get3A_380, %select_n3A_375 : vector<16xf32>
        %select_n3A_385 = arith.select %lt3A_384, %get3A_380, %select_n3A_375 : vector<16xi1>, vector<16xf32>
        %select_n3A_386 = arith.select %lt3A_384, %add3A_383, %select_n3A_376 : vector<16xi1>, vector<16xi32>
        %get3A_387 = arith.index_cast %scan3A_24 : i32 to index
        %get3A_388 = arith.constant 576 : index
        %get3A_389 = tpu.vector_load %arg4[%get3A_387, %get3A_388] {strides = array<i32>} : memref<16x1000xf32, #tpu.memory_space<vmem>>, vector<1x16xf32>,
        %get3A_390 = vector.shape_cast %get3A_389 : vector<1x16xf32> to vector<16xf32>
        %add3A_391 = arith.constant 576 : i32
        %add3A_392 = vector.broadcast %add3A_391 : i32 to vector<16xi32>
        %add3A_393 = arith.addi %iota3A, %add3A_392 : vector<16xi32>
        %lt3A_394 = arith.cmpf olt, %get3A_390, %select_n3A_385 : vector<16xf32>
        %select_n3A_395 = arith.select %lt3A_394, %get3A_390, %select_n3A_385 : vector<16xi1>, vector<16xf32>
        %select_n3A_396 = arith.select %lt3A_394, %add3A_393, %select_n3A_386 : vector<16xi1>, vector<16xi32>
        %get3A_397 = arith.index_cast %scan3A_24 : i32 to index
        %get3A_398 = arith.constant 592 : index
        %get3A_399 = tpu.vector_load %arg4[%get3A_397, %get3A_398] {strides = array<i32>} : memref<16x1000xf32, #tpu.memory_space<vmem>>, vector<1x16xf32>,
        %get3A_400 = vector.shape_cast %get3A_399 : vector<1x16xf32> to vector<16xf32>
        %add3A_401 = arith.constant 592 : i32
        %add3A_402 = vector.broadcast %add3A_401 : i32 to vector<16xi32>
        %add3A_403 = arith.addi %iota3A, %add3A_402 : vector<16xi32>
        %lt3A_404 = arith.cmpf olt, %get3A_400, %select_n3A_395 : vector<16xf32>
        %select_n3A_405 = arith.select %lt3A_404, %get3A_400, %select_n3A_395 : vector<16xi1>, vector<16xf32>
        %select_n3A_406 = arith.select %lt3A_404, %add3A_403, %select_n3A_396 : vector<16xi1>, vector<16xi32>
        %get3A_407 = arith.index_cast %scan3A_24 : i32 to index
        %get3A_408 = arith.constant 608 : index
        %get3A_409 = tpu.vector_load %arg4[%get3A_407, %get3A_408] {strides = array<i32>} : memref<16x1000xf32, #tpu.memory_space<vmem>>, vector<1x16xf32>,
        %get3A_410 = vector.shape_cast %get3A_409 : vector<1x16xf32> to vector<16xf32>
        %add3A_411 = arith.constant 608 : i32
        %add3A_412 = vector.broadcast %add3A_411 : i32 to vector<16xi32>
        %add3A_413 = arith.addi %iota3A, %add3A_412 : vector<16xi32>
        %lt3A_414 = arith.cmpf olt, %get3A_410, %select_n3A_405 : vector<16xf32>
        %select_n3A_415 = arith.select %lt3A_414, %get3A_410, %select_n3A_405 : vector<16xi1>, vector<16xf32>
        %select_n3A_416 = arith.select %lt3A_414, %add3A_413, %select_n3A_406 : vector<16xi1>, vector<16xi32>
        %get3A_417 = arith.index_cast %scan3A_24 : i32 to index
        %get3A_418 = arith.constant 624 : index
        %get3A_419 = tpu.vector_load %arg4[%get3A_417, %get3A_418] {strides = array<i32>} : memref<16x1000xf32, #tpu.memory_space<vmem>>, vector<1x16xf32>,
        %get3A_420 = vector.shape_cast %get3A_419 : vector<1x16xf32> to vector<16xf32>
        %add3A_421 = arith.constant 624 : i32
        %add3A_422 = vector.broadcast %add3A_421 : i32 to vector<16xi32>
        %add3A_423 = arith.addi %iota3A, %add3A_422 : vector<16xi32>
        %lt3A_424 = arith.cmpf olt, %get3A_420, %select_n3A_415 : vector<16xf32>
        %select_n3A_425 = arith.select %lt3A_424, %get3A_420, %select_n3A_415 : vector<16xi1>, vector<16xf32>
        %select_n3A_426 = arith.select %lt3A_424, %add3A_423, %select_n3A_416 : vector<16xi1>, vector<16xi32>
        %get3A_427 = arith.index_cast %scan3A_24 : i32 to index
        %get3A_428 = arith.constant 640 : index
        %get3A_429 = tpu.vector_load %arg4[%get3A_427, %get3A_428] {strides = array<i32>} : memref<16x1000xf32, #tpu.memory_space<vmem>>, vector<1x16xf32>,
        %get3A_430 = vector.shape_cast %get3A_429 : vector<1x16xf32> to vector<16xf32>
        %add3A_431 = arith.constant 640 : i32
        %add3A_432 = vector.broadcast %add3A_431 : i32 to vector<16xi32>
        %add3A_433 = arith.addi %iota3A, %add3A_432 : vector<16xi32>
        %lt3A_434 = arith.cmpf olt, %get3A_430, %select_n3A_425 : vector<16xf32>
        %select_n3A_435 = arith.select %lt3A_434, %get3A_430, %select_n3A_425 : vector<16xi1>, vector<16xf32>
        %select_n3A_436 = arith.select %lt3A_434, %add3A_433, %select_n3A_426 : vector<16xi1>, vector<16xi32>
        %get3A_437 = arith.index_cast %scan3A_24 : i32 to index
        %get3A_438 = arith.constant 656 : index
        %get3A_439 = tpu.vector_load %arg4[%get3A_437, %get3A_438] {strides = array<i32>} : memref<16x1000xf32, #tpu.memory_space<vmem>>, vector<1x16xf32>,
        %get3A_440 = vector.shape_cast %get3A_439 : vector<1x16xf32> to vector<16xf32>
        %add3A_441 = arith.constant 656 : i32
        %add3A_442 = vector.broadcast %add3A_441 : i32 to vector<16xi32>
        %add3A_443 = arith.addi %iota3A, %add3A_442 : vector<16xi32>
        %lt3A_444 = arith.cmpf olt, %get3A_440, %select_n3A_435 : vector<16xf32>
        %select_n3A_445 = arith.select %lt3A_444, %get3A_440, %select_n3A_435 : vector<16xi1>, vector<16xf32>
        %select_n3A_446 = arith.select %lt3A_444, %add3A_443, %select_n3A_436 : vector<16xi1>, vector<16xi32>
        %get3A_447 = arith.index_cast %scan3A_24 : i32 to index
        %get3A_448 = arith.constant 672 : index
        %get3A_449 = tpu.vector_load %arg4[%get3A_447, %get3A_448] {strides = array<i32>} : memref<16x1000xf32, #tpu.memory_space<vmem>>, vector<1x16xf32>,
        %get3A_450 = vector.shape_cast %get3A_449 : vector<1x16xf32> to vector<16xf32>
        %add3A_451 = arith.constant 672 : i32
        %add3A_452 = vector.broadcast %add3A_451 : i32 to vector<16xi32>
        %add3A_453 = arith.addi %iota3A, %add3A_452 : vector<16xi32>
        %lt3A_454 = arith.cmpf olt, %get3A_450, %select_n3A_445 : vector<16xf32>
        %select_n3A_455 = arith.select %lt3A_454, %get3A_450, %select_n3A_445 : vector<16xi1>, vector<16xf32>
        %select_n3A_456 = arith.select %lt3A_454, %add3A_453, %select_n3A_446 : vector<16xi1>, vector<16xi32>
        %get3A_457 = arith.index_cast %scan3A_24 : i32 to index
        %get3A_458 = arith.constant 688 : index
        %get3A_459 = tpu.vector_load %arg4[%get3A_457, %get3A_458] {strides = array<i32>} : memref<16x1000xf32, #tpu.memory_space<vmem>>, vector<1x16xf32>,
        %get3A_460 = vector.shape_cast %get3A_459 : vector<1x16xf32> to vector<16xf32>
        %add3A_461 = arith.constant 688 : i32
        %add3A_462 = vector.broadcast %add3A_461 : i32 to vector<16xi32>
        %add3A_463 = arith.addi %iota3A, %add3A_462 : vector<16xi32>
        %lt3A_464 = arith.cmpf olt, %get3A_460, %select_n3A_455 : vector<16xf32>
        %select_n3A_465 = arith.select %lt3A_464, %get3A_460, %select_n3A_455 : vector<16xi1>, vector<16xf32>
        %select_n3A_466 = arith.select %lt3A_464, %add3A_463, %select_n3A_456 : vector<16xi1>, vector<16xi32>
        %get3A_467 = arith.index_cast %scan3A_24 : i32 to index
        %get3A_468 = arith.constant 704 : index
        %get3A_469 = tpu.vector_load %arg4[%get3A_467, %get3A_468] {strides = array<i32>} : memref<16x1000xf32, #tpu.memory_space<vmem>>, vector<1x16xf32>,
        %get3A_470 = vector.shape_cast %get3A_469 : vector<1x16xf32> to vector<16xf32>
        %add3A_471 = arith.constant 704 : i32
        %add3A_472 = vector.broadcast %add3A_471 : i32 to vector<16xi32>
        %add3A_473 = arith.addi %iota3A, %add3A_472 : vector<16xi32>
        %lt3A_474 = arith.cmpf olt, %get3A_470, %select_n3A_465 : vector<16xf32>
        %select_n3A_475 = arith.select %lt3A_474, %get3A_470, %select_n3A_465 : vector<16xi1>, vector<16xf32>
        %select_n3A_476 = arith.select %lt3A_474, %add3A_473, %select_n3A_466 : vector<16xi1>, vector<16xi32>
        %get3A_477 = arith.index_cast %scan3A_24 : i32 to index
        %get3A_478 = arith.constant 720 : index
        %get3A_479 = tpu.vector_load %arg4[%get3A_477, %get3A_478] {strides = array<i32>} : memref<16x1000xf32, #tpu.memory_space<vmem>>, vector<1x16xf32>,
        %get3A_480 = vector.shape_cast %get3A_479 : vector<1x16xf32> to vector<16xf32>
        %add3A_481 = arith.constant 720 : i32
        %add3A_482 = vector.broadcast %add3A_481 : i32 to vector<16xi32>
        %add3A_483 = arith.addi %iota3A, %add3A_482 : vector<16xi32>
        %lt3A_484 = arith.cmpf olt, %get3A_480, %select_n3A_475 : vector<16xf32>
        %select_n3A_485 = arith.select %lt3A_484, %get3A_480, %select_n3A_475 : vector<16xi1>, vector<16xf32>
        %select_n3A_486 = arith.select %lt3A_484, %add3A_483, %select_n3A_476 : vector<16xi1>, vector<16xi32>
        %get3A_487 = arith.index_cast %scan3A_24 : i32 to index
        %get3A_488 = arith.constant 736 : index
        %get3A_489 = tpu.vector_load %arg4[%get3A_487, %get3A_488] {strides = array<i32>} : memref<16x1000xf32, #tpu.memory_space<vmem>>, vector<1x16xf32>,
        %get3A_490 = vector.shape_cast %get3A_489 : vector<1x16xf32> to vector<16xf32>
        %add3A_491 = arith.constant 736 : i32
        %add3A_492 = vector.broadcast %add3A_491 : i32 to vector<16xi32>
        %add3A_493 = arith.addi %iota3A, %add3A_492 : vector<16xi32>
        %lt3A_494 = arith.cmpf olt, %get3A_490, %select_n3A_485 : vector<16xf32>
        %select_n3A_495 = arith.select %lt3A_494, %get3A_490, %select_n3A_485 : vector<16xi1>, vector<16xf32>
        %select_n3A_496 = arith.select %lt3A_494, %add3A_493, %select_n3A_486 : vector<16xi1>, vector<16xi32>
        %get3A_497 = arith.index_cast %scan3A_24 : i32 to index
        %get3A_498 = arith.constant 752 : index
        %get3A_499 = tpu.vector_load %arg4[%get3A_497, %get3A_498] {strides = array<i32>} : memref<16x1000xf32, #tpu.memory_space<vmem>>, vector<1x16xf32>,
        %get3A_500 = vector.shape_cast %get3A_499 : vector<1x16xf32> to vector<16xf32>
        %add3A_501 = arith.constant 752 : i32
        %add3A_502 = vector.broadcast %add3A_501 : i32 to vector<16xi32>
        %add3A_503 = arith.addi %iota3A, %add3A_502 : vector<16xi32>
        %lt3A_504 = arith.cmpf olt, %get3A_500, %select_n3A_495 : vector<16xf32>
        %select_n3A_505 = arith.select %lt3A_504, %get3A_500, %select_n3A_495 : vector<16xi1>, vector<16xf32>
        %select_n3A_506 = arith.select %lt3A_504, %add3A_503, %select_n3A_496 : vector<16xi1>, vector<16xi32>
        %get3A_507 = arith.index_cast %scan3A_24 : i32 to index
        %get3A_508 = arith.constant 768 : index
        %get3A_509 = tpu.vector_load %arg4[%get3A_507, %get3A_508] {strides = array<i32>} : memref<16x1000xf32, #tpu.memory_space<vmem>>, vector<1x16xf32>,
        %get3A_510 = vector.shape_cast %get3A_509 : vector<1x16xf32> to vector<16xf32>
        %add3A_511 = arith.constant 768 : i32
        %add3A_512 = vector.broadcast %add3A_511 : i32 to vector<16xi32>
        %add3A_513 = arith.addi %iota3A, %add3A_512 : vector<16xi32>
        %lt3A_514 = arith.cmpf olt, %get3A_510, %select_n3A_505 : vector<16xf32>
        %select_n3A_515 = arith.select %lt3A_514, %get3A_510, %select_n3A_505 : vector<16xi1>, vector<16xf32>
        %select_n3A_516 = arith.select %lt3A_514, %add3A_513, %select_n3A_506 : vector<16xi1>, vector<16xi32>
        %get3A_517 = arith.index_cast %scan3A_24 : i32 to index
        %get3A_518 = arith.constant 784 : index
        %get3A_519 = tpu.vector_load %arg4[%get3A_517, %get3A_518] {strides = array<i32>} : memref<16x1000xf32, #tpu.memory_space<vmem>>, vector<1x16xf32>,
        %get3A_520 = vector.shape_cast %get3A_519 : vector<1x16xf32> to vector<16xf32>
        %add3A_521 = arith.constant 784 : i32
        %add3A_522 = vector.broadcast %add3A_521 : i32 to vector<16xi32>
        %add3A_523 = arith.addi %iota3A, %add3A_522 : vector<16xi32>
        %lt3A_524 = arith.cmpf olt, %get3A_520, %select_n3A_515 : vector<16xf32>
        %select_n3A_525 = arith.select %lt3A_524, %get3A_520, %select_n3A_515 : vector<16xi1>, vector<16xf32>
        %select_n3A_526 = arith.select %lt3A_524, %add3A_523, %select_n3A_516 : vector<16xi1>, vector<16xi32>
        %get3A_527 = arith.index_cast %scan3A_24 : i32 to index
        %get3A_528 = arith.constant 800 : index
        %get3A_529 = tpu.vector_load %arg4[%get3A_527, %get3A_528] {strides = array<i32>} : memref<16x1000xf32, #tpu.memory_space<vmem>>, vector<1x16xf32>,
        %get3A_530 = vector.shape_cast %get3A_529 : vector<1x16xf32> to vector<16xf32>
        %add3A_531 = arith.constant 800 : i32
        %add3A_532 = vector.broadcast %add3A_531 : i32 to vector<16xi32>
        %add3A_533 = arith.addi %iota3A, %add3A_532 : vector<16xi32>
        %lt3A_534 = arith.cmpf olt, %get3A_530, %select_n3A_525 : vector<16xf32>
        %select_n3A_535 = arith.select %lt3A_534, %get3A_530, %select_n3A_525 : vector<16xi1>, vector<16xf32>
        %select_n3A_536 = arith.select %lt3A_534, %add3A_533, %select_n3A_526 : vector<16xi1>, vector<16xi32>
        %get3A_537 = arith.index_cast %scan3A_24 : i32 to index
        %get3A_538 = arith.constant 816 : index
        %get3A_539 = tpu.vector_load %arg4[%get3A_537, %get3A_538] {strides = array<i32>} : memref<16x1000xf32, #tpu.memory_space<vmem>>, vector<1x16xf32>,
        %get3A_540 = vector.shape_cast %get3A_539 : vector<1x16xf32> to vector<16xf32>
        %add3A_541 = arith.constant 816 : i32
        %add3A_542 = vector.broadcast %add3A_541 : i32 to vector<16xi32>
        %add3A_543 = arith.addi %iota3A, %add3A_542 : vector<16xi32>
        %lt3A_544 = arith.cmpf olt, %get3A_540, %select_n3A_535 : vector<16xf32>
        %select_n3A_545 = arith.select %lt3A_544, %get3A_540, %select_n3A_535 : vector<16xi1>, vector<16xf32>
        %select_n3A_546 = arith.select %lt3A_544, %add3A_543, %select_n3A_536 : vector<16xi1>, vector<16xi32>
        %get3A_547 = arith.index_cast %scan3A_24 : i32 to index
        %get3A_548 = arith.constant 832 : index
        %get3A_549 = tpu.vector_load %arg4[%get3A_547, %get3A_548] {strides = array<i32>} : memref<16x1000xf32, #tpu.memory_space<vmem>>, vector<1x16xf32>,
        %get3A_550 = vector.shape_cast %get3A_549 : vector<1x16xf32> to vector<16xf32>
        %add3A_551 = arith.constant 832 : i32
        %add3A_552 = vector.broadcast %add3A_551 : i32 to vector<16xi32>
        %add3A_553 = arith.addi %iota3A, %add3A_552 : vector<16xi32>
        %lt3A_554 = arith.cmpf olt, %get3A_550, %select_n3A_545 : vector<16xf32>
        %select_n3A_555 = arith.select %lt3A_554, %get3A_550, %select_n3A_545 : vector<16xi1>, vector<16xf32>
        %select_n3A_556 = arith.select %lt3A_554, %add3A_553, %select_n3A_546 : vector<16xi1>, vector<16xi32>
        %get3A_557 = arith.index_cast %scan3A_24 : i32 to index
        %get3A_558 = arith.constant 848 : index
        %get3A_559 = tpu.vector_load %arg4[%get3A_557, %get3A_558] {strides = array<i32>} : memref<16x1000xf32, #tpu.memory_space<vmem>>, vector<1x16xf32>,
        %get3A_560 = vector.shape_cast %get3A_559 : vector<1x16xf32> to vector<16xf32>
        %add3A_561 = arith.constant 848 : i32
        %add3A_562 = vector.broadcast %add3A_561 : i32 to vector<16xi32>
        %add3A_563 = arith.addi %iota3A, %add3A_562 : vector<16xi32>
        %lt3A_564 = arith.cmpf olt, %get3A_560, %select_n3A_555 : vector<16xf32>
        %select_n3A_565 = arith.select %lt3A_564, %get3A_560, %select_n3A_555 : vector<16xi1>, vector<16xf32>
        %select_n3A_566 = arith.select %lt3A_564, %add3A_563, %select_n3A_556 : vector<16xi1>, vector<16xi32>
        %get3A_567 = arith.index_cast %scan3A_24 : i32 to index
        %get3A_568 = arith.constant 864 : index
        %get3A_569 = tpu.vector_load %arg4[%get3A_567, %get3A_568] {strides = array<i32>} : memref<16x1000xf32, #tpu.memory_space<vmem>>, vector<1x16xf32>,
        %get3A_570 = vector.shape_cast %get3A_569 : vector<1x16xf32> to vector<16xf32>
        %add3A_571 = arith.constant 864 : i32
        %add3A_572 = vector.broadcast %add3A_571 : i32 to vector<16xi32>
        %add3A_573 = arith.addi %iota3A, %add3A_572 : vector<16xi32>
        %lt3A_574 = arith.cmpf olt, %get3A_570, %select_n3A_565 : vector<16xf32>
        %select_n3A_575 = arith.select %lt3A_574, %get3A_570, %select_n3A_565 : vector<16xi1>, vector<16xf32>
        %select_n3A_576 = arith.select %lt3A_574, %add3A_573, %select_n3A_566 : vector<16xi1>, vector<16xi32>
        %get3A_577 = arith.index_cast %scan3A_24 : i32 to index
        %get3A_578 = arith.constant 880 : index
        %get3A_579 = tpu.vector_load %arg4[%get3A_577, %get3A_578] {strides = array<i32>} : memref<16x1000xf32, #tpu.memory_space<vmem>>, vector<1x16xf32>,
        %get3A_580 = vector.shape_cast %get3A_579 : vector<1x16xf32> to vector<16xf32>
        %add3A_581 = arith.constant 880 : i32
        %add3A_582 = vector.broadcast %add3A_581 : i32 to vector<16xi32>
        %add3A_583 = arith.addi %iota3A, %add3A_582 : vector<16xi32>
        %lt3A_584 = arith.cmpf olt, %get3A_580, %select_n3A_575 : vector<16xf32>
        %select_n3A_585 = arith.select %lt3A_584, %get3A_580, %select_n3A_575 : vector<16xi1>, vector<16xf32>
        %select_n3A_586 = arith.select %lt3A_584, %add3A_583, %select_n3A_576 : vector<16xi1>, vector<16xi32>
        %get3A_587 = arith.index_cast %scan3A_24 : i32 to index
        %get3A_588 = arith.constant 896 : index
        %get3A_589 = tpu.vector_load %arg4[%get3A_587, %get3A_588] {strides = array<i32>} : memref<16x1000xf32, #tpu.memory_space<vmem>>, vector<1x16xf32>,
        %get3A_590 = vector.shape_cast %get3A_589 : vector<1x16xf32> to vector<16xf32>
        %add3A_591 = arith.constant 896 : i32
        %add3A_592 = vector.broadcast %add3A_591 : i32 to vector<16xi32>
        %add3A_593 = arith.addi %iota3A, %add3A_592 : vector<16xi32>
        %lt3A_594 = arith.cmpf olt, %get3A_590, %select_n3A_585 : vector<16xf32>
        %select_n3A_595 = arith.select %lt3A_594, %get3A_590, %select_n3A_585 : vector<16xi1>, vector<16xf32>
        %select_n3A_596 = arith.select %lt3A_594, %add3A_593, %select_n3A_586 : vector<16xi1>, vector<16xi32>
        %get3A_597 = arith.index_cast %scan3A_24 : i32 to index
        %get3A_598 = arith.constant 912 : index
        %get3A_599 = tpu.vector_load %arg4[%get3A_597, %get3A_598] {strides = array<i32>} : memref<16x1000xf32, #tpu.memory_space<vmem>>, vector<1x16xf32>,
        %get3A_600 = vector.shape_cast %get3A_599 : vector<1x16xf32> to vector<16xf32>
        %add3A_601 = arith.constant 912 : i32
        %add3A_602 = vector.broadcast %add3A_601 : i32 to vector<16xi32>
        %add3A_603 = arith.addi %iota3A, %add3A_602 : vector<16xi32>
        %lt3A_604 = arith.cmpf olt, %get3A_600, %select_n3A_595 : vector<16xf32>
        %select_n3A_605 = arith.select %lt3A_604, %get3A_600, %select_n3A_595 : vector<16xi1>, vector<16xf32>
        %select_n3A_606 = arith.select %lt3A_604, %add3A_603, %select_n3A_596 : vector<16xi1>, vector<16xi32>
        %get3A_607 = arith.index_cast %scan3A_24 : i32 to index
        %get3A_608 = arith.constant 928 : index
        %get3A_609 = tpu.vector_load %arg4[%get3A_607, %get3A_608] {strides = array<i32>} : memref<16x1000xf32, #tpu.memory_space<vmem>>, vector<1x16xf32>,
        %get3A_610 = vector.shape_cast %get3A_609 : vector<1x16xf32> to vector<16xf32>
        %add3A_611 = arith.constant 928 : i32
        %add3A_612 = vector.broadcast %add3A_611 : i32 to vector<16xi32>
        %add3A_613 = arith.addi %iota3A, %add3A_612 : vector<16xi32>
        %lt3A_614 = arith.cmpf olt, %get3A_610, %select_n3A_605 : vector<16xf32>
        %select_n3A_615 = arith.select %lt3A_614, %get3A_610, %select_n3A_605 : vector<16xi1>, vector<16xf32>
        %select_n3A_616 = arith.select %lt3A_614, %add3A_613, %select_n3A_606 : vector<16xi1>, vector<16xi32>
        %get3A_617 = arith.index_cast %scan3A_24 : i32 to index
        %get3A_618 = arith.constant 944 : index
        %get3A_619 = tpu.vector_load %arg4[%get3A_617, %get3A_618] {strides = array<i32>} : memref<16x1000xf32, #tpu.memory_space<vmem>>, vector<1x16xf32>,
        %get3A_620 = vector.shape_cast %get3A_619 : vector<1x16xf32> to vector<16xf32>
        %add3A_621 = arith.constant 944 : i32
        %add3A_622 = vector.broadcast %add3A_621 : i32 to vector<16xi32>
        %add3A_623 = arith.addi %iota3A, %add3A_622 : vector<16xi32>
        %lt3A_624 = arith.cmpf olt, %get3A_620, %select_n3A_615 : vector<16xf32>
        %select_n3A_625 = arith.select %lt3A_624, %get3A_620, %select_n3A_615 : vector<16xi1>, vector<16xf32>
        %select_n3A_626 = arith.select %lt3A_624, %add3A_623, %select_n3A_616 : vector<16xi1>, vector<16xi32>
        %get3A_627 = arith.index_cast %scan3A_24 : i32 to index
        %get3A_628 = arith.constant 960 : index
        %get3A_629 = tpu.vector_load %arg4[%get3A_627, %get3A_628] {strides = array<i32>} : memref<16x1000xf32, #tpu.memory_space<vmem>>, vector<1x16xf32>,
        %get3A_630 = vector.shape_cast %get3A_629 : vector<1x16xf32> to vector<16xf32>
        %add3A_631 = arith.constant 960 : i32
        %add3A_632 = vector.broadcast %add3A_631 : i32 to vector<16xi32>
        %add3A_633 = arith.addi %iota3A, %add3A_632 : vector<16xi32>
        %lt3A_634 = arith.cmpf olt, %get3A_630, %select_n3A_625 : vector<16xf32>
        %select_n3A_635 = arith.select %lt3A_634, %get3A_630, %select_n3A_625 : vector<16xi1>, vector<16xf32>
        %select_n3A_636 = arith.select %lt3A_634, %add3A_633, %select_n3A_626 : vector<16xi1>, vector<16xi32>
        %get3A_637 = arith.index_cast %scan3A_24 : i32 to index
        %get3A_638 = arith.constant 976 : index
        %get3A_639 = tpu.vector_load %arg4[%get3A_637, %get3A_638] {strides = array<i32>} : memref<16x1000xf32, #tpu.memory_space<vmem>>, vector<1x16xf32>,
        %get3A_640 = vector.shape_cast %get3A_639 : vector<1x16xf32> to vector<16xf32>
        %add3A_641 = arith.constant 976 : i32
        %add3A_642 = vector.broadcast %add3A_641 : i32 to vector<16xi32>
        %add3A_643 = arith.addi %iota3A, %add3A_642 : vector<16xi32>
        %lt3A_644 = arith.cmpf olt, %get3A_640, %select_n3A_635 : vector<16xf32>
        %select_n3A_645 = arith.select %lt3A_644, %get3A_640, %select_n3A_635 : vector<16xi1>, vector<16xf32>
        %select_n3A_646 = arith.select %lt3A_644, %add3A_643, %select_n3A_636 : vector<16xi1>, vector<16xi32>
        %get3A_647 = arith.index_cast %scan3A_24 : i32 to index
        %get3A_648 = arith.constant 984 : index
        %get3A_649 = tpu.vector_load %arg4[%get3A_647, %get3A_648] {strides = array<i32>} : memref<16x1000xf32, #tpu.memory_space<vmem>>, vector<1x16xf32>,
        %get3A_650 = vector.shape_cast %get3A_649 : vector<1x16xf32> to vector<16xf32>
        %add3A_651 = arith.constant 984 : i32
        %add3A_652 = vector.broadcast %add3A_651 : i32 to vector<16xi32>
        %add3A_653 = arith.addi %iota3A, %add3A_652 : vector<16xi32>
        %lt3A_654 = arith.cmpf olt, %get3A_650, %select_n3A_645 : vector<16xf32>
        %select_n3A_655 = arith.select %lt3A_654, %get3A_650, %select_n3A_645 : vector<16xi1>, vector<16xf32>
        %select_n3A_656 = arith.select %lt3A_654, %add3A_653, %select_n3A_646 : vector<16xi1>, vector<16xi32>
        %xor3A = arith.constant 1 : i32
        %xor3A_657 = vector.broadcast %xor3A : i32 to vector<16xi32>
        %xor3A_658 = arith.xori %iota3A, %xor3A_657 : vector<16xi32>
        %broadcast_in_dim3A_659 = vector.shape_cast %xor3A_658 : vector<16xi32> to vector<16x1xi32>
        %gather3A = vector.shape_cast %broadcast_in_dim3A_659 : vector<16x1xi32> to vector<16xi32>
        %gather3A_660 = tpu.dynamic_gather %select_n3A_655[%gather3A] in [0] : vector<16xf32>, vector<16xi32> -> vector<16xf32>
        %broadcast_in_dim3A_661 = vector.shape_cast %xor3A_658 : vector<16xi32> to vector<16x1xi32>
        %gather3A_662 = vector.shape_cast %broadcast_in_dim3A_661 : vector<16x1xi32> to vector<16xi32>
        %gather3A_663 = tpu.dynamic_gather %select_n3A_656[%gather3A_662] in [0] : vector<16xi32>, vector<16xi32> -> vector<16xi32>
        %lt3A_664 = arith.cmpf olt, %gather3A_660, %select_n3A_655 : vector<16xf32>
        %eq3A = arith.cmpf oeq, %gather3A_660, %select_n3A_655 : vector<16xf32>
        %lt3A_665 = arith.cmpi slt, %gather3A_663, %select_n3A_656 : vector<16xi32>
        %and3A = arith.andi %eq3A, %lt3A_665 : vector<16xi1>
        %or3A = arith.ori %lt3A_664, %and3A : vector<16xi1>
        %select_n3A_666 = arith.select %or3A, %gather3A_660, %select_n3A_655 : vector<16xi1>, vector<16xf32>
        %select_n3A_667 = arith.select %or3A, %gather3A_663, %select_n3A_656 : vector<16xi1>, vector<16xi32>
        %xor3A_668 = arith.constant 2 : i32
        %xor3A_669 = vector.broadcast %xor3A_668 : i32 to vector<16xi32>
        %xor3A_670 = arith.xori %iota3A, %xor3A_669 : vector<16xi32>
        %broadcast_in_dim3A_671 = vector.shape_cast %xor3A_670 : vector<16xi32> to vector<16x1xi32>
        %gather3A_672 = vector.shape_cast %broadcast_in_dim3A_671 : vector<16x1xi32> to vector<16xi32>
        %gather3A_673 = tpu.dynamic_gather %select_n3A_666[%gather3A_672] in [0] : vector<16xf32>, vector<16xi32> -> vector<16xf32>
        %broadcast_in_dim3A_674 = vector.shape_cast %xor3A_670 : vector<16xi32> to vector<16x1xi32>
        %gather3A_675 = vector.shape_cast %broadcast_in_dim3A_674 : vector<16x1xi32> to vector<16xi32>
        %gather3A_676 = tpu.dynamic_gather %select_n3A_667[%gather3A_675] in [0] : vector<16xi32>, vector<16xi32> -> vector<16xi32>
        %lt3A_677 = arith.cmpf olt, %gather3A_673, %select_n3A_666 : vector<16xf32>
        %eq3A_678 = arith.cmpf oeq, %gather3A_673, %select_n3A_666 : vector<16xf32>
        %lt3A_679 = arith.cmpi slt, %gather3A_676, %select_n3A_667 : vector<16xi32>
        %and3A_680 = arith.andi %eq3A_678, %lt3A_679 : vector<16xi1>
        %or3A_681 = arith.ori %lt3A_677, %and3A_680 : vector<16xi1>
        %select_n3A_682 = arith.select %or3A_681, %gather3A_673, %select_n3A_666 : vector<16xi1>, vector<16xf32>
        %select_n3A_683 = arith.select %or3A_681, %gather3A_676, %select_n3A_667 : vector<16xi1>, vector<16xi32>
        %xor3A_684 = arith.constant 4 : i32
        %xor3A_685 = vector.broadcast %xor3A_684 : i32 to vector<16xi32>
        %xor3A_686 = arith.xori %iota3A, %xor3A_685 : vector<16xi32>
        %broadcast_in_dim3A_687 = vector.shape_cast %xor3A_686 : vector<16xi32> to vector<16x1xi32>
        %gather3A_688 = vector.shape_cast %broadcast_in_dim3A_687 : vector<16x1xi32> to vector<16xi32>
        %gather3A_689 = tpu.dynamic_gather %select_n3A_682[%gather3A_688] in [0] : vector<16xf32>, vector<16xi32> -> vector<16xf32>
        %broadcast_in_dim3A_690 = vector.shape_cast %xor3A_686 : vector<16xi32> to vector<16x1xi32>
        %gather3A_691 = vector.shape_cast %broadcast_in_dim3A_690 : vector<16x1xi32> to vector<16xi32>
        %gather3A_692 = tpu.dynamic_gather %select_n3A_683[%gather3A_691] in [0] : vector<16xi32>, vector<16xi32> -> vector<16xi32>
        %lt3A_693 = arith.cmpf olt, %gather3A_689, %select_n3A_682 : vector<16xf32>
        %eq3A_694 = arith.cmpf oeq, %gather3A_689, %select_n3A_682 : vector<16xf32>
        %lt3A_695 = arith.cmpi slt, %gather3A_692, %select_n3A_683 : vector<16xi32>
        %and3A_696 = arith.andi %eq3A_694, %lt3A_695 : vector<16xi1>
        %or3A_697 = arith.ori %lt3A_693, %and3A_696 : vector<16xi1>
        %select_n3A_698 = arith.select %or3A_697, %gather3A_689, %select_n3A_682 : vector<16xi1>, vector<16xf32>
        %select_n3A_699 = arith.select %or3A_697, %gather3A_692, %select_n3A_683 : vector<16xi1>, vector<16xi32>
        %xor3A_700 = arith.constant 8 : i32
        %xor3A_701 = vector.broadcast %xor3A_700 : i32 to vector<16xi32>
        %xor3A_702 = arith.xori %iota3A, %xor3A_701 : vector<16xi32>
        %broadcast_in_dim3A_703 = vector.shape_cast %xor3A_702 : vector<16xi32> to vector<16x1xi32>
        %gather3A_704 = vector.shape_cast %broadcast_in_dim3A_703 : vector<16x1xi32> to vector<16xi32>
        %gather3A_705 = tpu.dynamic_gather %select_n3A_698[%gather3A_704] in [0] : vector<16xf32>, vector<16xi32> -> vector<16xf32>
        %broadcast_in_dim3A_706 = vector.shape_cast %xor3A_702 : vector<16xi32> to vector<16x1xi32>
        %gather3A_707 = vector.shape_cast %broadcast_in_dim3A_706 : vector<16x1xi32> to vector<16xi32>
        %gather3A_708 = tpu.dynamic_gather %select_n3A_699[%gather3A_707] in [0] : vector<16xi32>, vector<16xi32> -> vector<16xi32>
        %lt3A_709 = arith.cmpf olt, %gather3A_705, %select_n3A_698 : vector<16xf32>
        %eq3A_710 = arith.cmpf oeq, %gather3A_705, %select_n3A_698 : vector<16xf32>
        %lt3A_711 = arith.cmpi slt, %gather3A_708, %select_n3A_699 : vector<16xi32>
        %and3A_712 = arith.andi %eq3A_710, %lt3A_711 : vector<16xi1>
        %or3A_713 = arith.ori %lt3A_709, %and3A_712 : vector<16xi1>
        %select_n3A_714 = arith.select %or3A_713, %gather3A_705, %select_n3A_698 : vector<16xi1>, vector<16xf32>
        %select_n3A_715 = arith.select %or3A_713, %gather3A_708, %select_n3A_699 : vector<16xi1>, vector<16xi32>
        %eq3A_716 = vector.broadcast %scan3A_24 : i32 to vector<16xi32>
        %eq3A_717 = arith.cmpi eq, %iota3A, %eq3A_716 : vector<16xi32>
        %select_n3A_718 = arith.select %eq3A_717, %select_n3A_715, %scan3A_25 : vector<16xi1>, vector<16xi32>
        scf.yield %select_n3A_718 : vector<16xi32>
      }
      %scan3A_18 = arith.constant 16 : i32
      %mul3A_19 = arith.constant 16 : i32
      %mul3A_20 = arith.muli %scan3A_8, %mul3A_19 : i32
      %swap3A = arith.index_cast %mul3A_20 : i32 to index
      %swap3A_21 = tpu.vector_load %arg5[%swap3A] {strides = array<i32>} : memref<512xi32, #tpu.memory_space<vmem>>, vector<16xi32>,
      %swap3A_22 = vector.shape_cast %swap3A_21 : vector<16xi32> to vector<16xi32>
      %swap3A_23 = vector.shape_cast %scan3A_17 : vector<16xi32> to vector<16xi32>
      tpu.vector_store %arg5[%swap3A], %swap3A_23 {strides = array<i32>} : memref<512xi32, #tpu.memory_space<vmem>>, vector<16xi32>,
    }
    %scan3A_7 = arith.constant 32 : i32
    "tpu.region"() ({
      %run_scoped3A = tpu.sem_alloc : memref<!tpu.dma_semaphore, #tpu.memory_space<semaphore_mem>>
      %dma_start3A = tpu.memref_slice %arg3[%mul3A_2] : memref<16384xi32, #tpu.memory_space<hbm>> -> memref<512xi32, #tpu.memory_space<hbm>>
      %dma_start3A_8 = tpu.memref_slice %arg3[%mul3A_2] : memref<16384xi32, #tpu.memory_space<hbm>> -> memref<512xi32, #tpu.memory_space<hbm>>
      tpu.enqueue_dma source(%arg5 : memref<512xi32, #tpu.memory_space<vmem>>) target(%dma_start3A_8 : memref<512xi32, #tpu.memory_space<hbm>>) target_semaphore(%run_scoped3A : memref<!tpu.dma_semaphore, #tpu.memory_space<semaphore_mem>>)
      %dma_wait3A = tpu.memref_slice %arg3[%mul3A_2] : memref<16384xi32, #tpu.memory_space<hbm>> -> memref<512xi32, #tpu.memory_space<hbm>>
      %dma_wait3A_9 = tpu.memref_slice %arg3[%mul3A_2] : memref<16384xi32, #tpu.memory_space<hbm>> -> memref<512xi32, #tpu.memory_space<hbm>>
      tpu.wait_dma2 semaphore(%run_scoped3A : memref<!tpu.dma_semaphore, #tpu.memory_space<semaphore_mem>>) src(%arg5 : memref<512xi32, #tpu.memory_space<vmem>>) dst(%dma_wait3A_9 : memref<512xi32, #tpu.memory_space<hbm>>)
      tpu.yield
    }) : () -> ()
    return
  }
}

module attributes {stable_mosaic.version = 14 : i64} {
  func.func @_dists_body(%arg0: i32, %arg1: memref<1024x384xf32, #tpu.memory_space<vmem>>, %arg2: memref<1000x392xf32, #tpu.memory_space<vmem>>, %arg3: memref<1024x1000xf32, #tpu.memory_space<vmem>>) attributes {dimension_semantics = [#tpu.dimension_semantics<arbitrary>], iteration_bounds = array<i64: 16>, scalar_prefetch = 0 : i64, scratch_operands = 0 : i64, tpu.core_type = #tpu.core_type<tc>, window_params = [{transform_indices = @transform_0, window_bounds = array<i64: 1024, 384>}, {pipeline_mode = #tpu.pipeline_mode<synchronous>, transform_indices = @transform_1, window_bounds = array<i64: 1000, 392>}, {transform_indices = @transform_2, window_bounds = array<i64: 1024, 1000>}]} {
    %get3A = arith.constant 0 : index
    %get3A_0 = arith.constant 0 : index
    %get3A_1 = vector.load %arg1[%get3A, %get3A_0] : memref<1024x384xf32, #tpu.memory_space<vmem>>, vector<1024x384xf32>
    %mul3A = arith.mulf %get3A_1, %get3A_1 : vector<1024x384xf32>
    %reduce_sum3A = arith.constant dense<0.000000e+00> : vector<1024xf32>
    %reduce_sum3A_2 = vector.multi_reduction <add>, %mul3A, %reduce_sum3A [1] : vector<1024x384xf32> to vector<1024xf32>
    %broadcast_in_dim3A = vector.shape_cast %reduce_sum3A_2 : vector<1024xf32> to vector<1024x1xf32>
    %sqrt3A = math.sqrt %broadcast_in_dim3A : vector<1024x1xf32>
    %max3A = arith.constant 9.99999996E-13 : f32
    %max3A_3 = vector.broadcast %max3A : f32 to vector<1024x1xf32>
    %max3A_4 = arith.maximumf %sqrt3A, %max3A_3 : vector<1024x1xf32>
    %div3A = vector.broadcast %max3A_4 : vector<1024x1xf32> to vector<1024x384xf32>
    %div3A_5 = arith.divf %get3A_1, %div3A : vector<1024x384xf32>
    %mul3A_6 = arith.mulf %div3A_5, %div3A_5 : vector<1024x384xf32>
    %reduce_sum3A_7 = arith.constant dense<0.000000e+00> : vector<1024xf32>
    %reduce_sum3A_8 = vector.multi_reduction <add>, %mul3A_6, %reduce_sum3A_7 [1] : vector<1024x384xf32> to vector<1024xf32>
    %broadcast_in_dim3A_9 = vector.shape_cast %reduce_sum3A_8 : vector<1024xf32> to vector<1024x1xf32>
    %broadcast_in_dim3A_10 = arith.constant 1.000000e+00 : f32
    %broadcast_in_dim3A_11 = vector.broadcast %broadcast_in_dim3A_10 : f32 to vector<1024x1xf32>
    %broadcast_in_dim3A_12 = arith.constant 0.000000e+00 : f32
    %broadcast_in_dim3A_13 = vector.broadcast %broadcast_in_dim3A_12 : f32 to vector<1024x6xf32>
    %concatenate3A = tpu.concatenate %div3A_5, %broadcast_in_dim3A_9, %broadcast_in_dim3A_11, %broadcast_in_dim3A_13 in 1 : vector<1024x384xf32>, vector<1024x1xf32>, vector<1024x1xf32>, vector<1024x6xf32> -> vector<1024x392xf32>
    %get3A_14 = arith.constant 0 : index
    %get3A_15 = arith.constant 0 : index
    %get3A_16 = vector.load %arg2[%get3A_14, %get3A_15] : memref<1000x392xf32, #tpu.memory_space<vmem>>, vector<1000x392xf32>
    %dot_general3A = arith.constant dense<0.000000e+00> : vector<1024x1000xf32>
    %dot_general3A_17 = tpu.matmul %concatenate3A, %get3A_16, %dot_general3A {dimension_numbers = #tpu.dot_dimension_numbers<[1], [1], [0], [0], [0, 0, 1, 0], [], []>, transpose_lhs_hint = false} : vector<1024x392xf32>, vector<1000x392xf32>, vector<1024x1000xf32> -> vector<1024x1000xf32>
    %max3A_18 = arith.constant 0.000000e+00 : f32
    %max3A_19 = vector.broadcast %max3A_18 : f32 to vector<1024x1000xf32>
    %max3A_20 = arith.maximumf %dot_general3A_17, %max3A_19 : vector<1024x1000xf32>
    %add3A = arith.constant 9.99999996E-13 : f32
    %add3A_21 = vector.broadcast %add3A : f32 to vector<1024x1000xf32>
    %add3A_22 = arith.addf %max3A_20, %add3A_21 : vector<1024x1000xf32>
    %sqrt3A_23 = math.sqrt %add3A_22 : vector<1024x1000xf32>
    %swap3A = arith.constant 0 : index
    %swap3A_24 = arith.constant 0 : index
    %swap3A_25 = vector.load %arg3[%swap3A, %swap3A_24] : memref<1024x1000xf32, #tpu.memory_space<vmem>>, vector<1024x1000xf32>
    tpu.vector_store %arg3[%swap3A, %swap3A_24], %sqrt3A_23 {strides = array<i32>} : memref<1024x1000xf32, #tpu.memory_space<vmem>>, vector<1024x1000xf32>,
    return
  }
  func.func @transform_0(%arg0: i32) -> (i32, i32) {
    %c0_i32 = arith.constant 0 : i32
    %c0_i32_0 = arith.constant 0 : i32
    return %arg0, %c0_i32 : i32, i32
  }
  func.func @transform_1(%arg0: i32) -> (i32, i32) {
    %c0_i32 = arith.constant 0 : i32
    %c0_i32_0 = arith.constant 0 : i32
    %c0_i32_1 = arith.constant 0 : i32
    return %c0_i32, %c0_i32_0 : i32, i32
  }
  func.func @transform_2(%arg0: i32) -> (i32, i32) {
    %c0_i32 = arith.constant 0 : i32
    %c0_i32_0 = arith.constant 0 : i32
    return %arg0, %c0_i32 : i32, i32
  }
}

module attributes {stable_mosaic.version = 14 : i64} {
  func.func @_means_body(%arg0: i32, %arg1: memref<200x10x384xf32, #tpu.memory_space<vmem>>, %arg2: memref<200x392xf32, #tpu.memory_space<vmem>>) attributes {dimension_semantics = [#tpu.dimension_semantics<parallel>], iteration_bounds = array<i64: 5>, scalar_prefetch = 0 : i64, scratch_operands = 0 : i64, tpu.core_type = #tpu.core_type<tc>, window_params = [{transform_indices = @transform_0, window_bounds = array<i64: 200, 10, 384>}, {transform_indices = @transform_1, window_bounds = array<i64: 200, 392>}]} {
    %get3A = arith.constant 0 : index
    %get3A_0 = arith.constant 0 : index
    %get3A_1 = arith.constant 0 : index
    %get3A_2 = vector.load %arg1[%get3A, %get3A_0, %get3A_1] : memref<200x10x384xf32, #tpu.memory_space<vmem>>, vector<200x10x384xf32>
    %mul3A = arith.mulf %get3A_2, %get3A_2 : vector<200x10x384xf32>
    %reduce_sum3A = arith.constant dense<0.000000e+00> : vector<200x10xf32>
    %reduce_sum3A_3 = vector.multi_reduction <add>, %mul3A, %reduce_sum3A [2] : vector<200x10x384xf32> to vector<200x10xf32>
    %broadcast_in_dim3A = vector.shape_cast %reduce_sum3A_3 : vector<200x10xf32> to vector<200x10x1xf32>
    %sqrt3A = math.sqrt %broadcast_in_dim3A : vector<200x10x1xf32>
    %max3A = arith.constant 9.99999996E-13 : f32
    %max3A_4 = vector.broadcast %max3A : f32 to vector<200x10x1xf32>
    %max3A_5 = arith.maximumf %sqrt3A, %max3A_4 : vector<200x10x1xf32>
    %div3A = vector.broadcast %max3A_5 : vector<200x10x1xf32> to vector<200x10x384xf32>
    %div3A_6 = arith.divf %get3A_2, %div3A : vector<200x10x384xf32>
    %reduce_sum3A_7 = arith.constant dense<0.000000e+00> : vector<200x384xf32>
    %reduce_sum3A_8 = vector.multi_reduction <add>, %div3A_6, %reduce_sum3A_7 [1] : vector<200x10x384xf32> to vector<200x384xf32>
    %div3A_9 = arith.constant 1.000000e+01 : f32
    %div3A_10 = vector.broadcast %div3A_9 : f32 to vector<200x384xf32>
    %div3A_11 = arith.divf %reduce_sum3A_8, %div3A_10 : vector<200x384xf32>
    %mul3A_12 = arith.mulf %div3A_11, %div3A_11 : vector<200x384xf32>
    %reduce_sum3A_13 = arith.constant dense<0.000000e+00> : vector<200xf32>
    %reduce_sum3A_14 = vector.multi_reduction <add>, %mul3A_12, %reduce_sum3A_13 [1] : vector<200x384xf32> to vector<200xf32>
    %broadcast_in_dim3A_15 = vector.shape_cast %reduce_sum3A_14 : vector<200xf32> to vector<200x1xf32>
    %sqrt3A_16 = math.sqrt %broadcast_in_dim3A_15 : vector<200x1xf32>
    %max3A_17 = arith.constant 9.99999996E-13 : f32
    %max3A_18 = vector.broadcast %max3A_17 : f32 to vector<200x1xf32>
    %max3A_19 = arith.maximumf %sqrt3A_16, %max3A_18 : vector<200x1xf32>
    %div3A_20 = vector.broadcast %max3A_19 : vector<200x1xf32> to vector<200x384xf32>
    %div3A_21 = arith.divf %div3A_11, %div3A_20 : vector<200x384xf32>
    %mul3A_22 = arith.mulf %div3A_21, %div3A_21 : vector<200x384xf32>
    %reduce_sum3A_23 = arith.constant dense<0.000000e+00> : vector<200xf32>
    %reduce_sum3A_24 = vector.multi_reduction <add>, %mul3A_22, %reduce_sum3A_23 [1] : vector<200x384xf32> to vector<200xf32>
    %broadcast_in_dim3A_25 = vector.shape_cast %reduce_sum3A_24 : vector<200xf32> to vector<200x1xf32>
    %mul3A_26 = arith.constant -2.000000e+00 : f32
    %mul3A_27 = vector.broadcast %mul3A_26 : f32 to vector<200x384xf32>
    %mul3A_28 = arith.mulf %mul3A_27, %div3A_21 : vector<200x384xf32>
    %broadcast_in_dim3A_29 = arith.constant 1.000000e+00 : f32
    %broadcast_in_dim3A_30 = vector.broadcast %broadcast_in_dim3A_29 : f32 to vector<200x1xf32>
    %broadcast_in_dim3A_31 = arith.constant 0.000000e+00 : f32
    %broadcast_in_dim3A_32 = vector.broadcast %broadcast_in_dim3A_31 : f32 to vector<200x6xf32>
    %concatenate3A = tpu.concatenate %mul3A_28, %broadcast_in_dim3A_30, %broadcast_in_dim3A_25, %broadcast_in_dim3A_32 in 1 : vector<200x384xf32>, vector<200x1xf32>, vector<200x1xf32>, vector<200x6xf32> -> vector<200x392xf32>
    %swap3A = arith.constant 0 : index
    %swap3A_33 = arith.constant 0 : index
    %swap3A_34 = vector.load %arg2[%swap3A, %swap3A_33] : memref<200x392xf32, #tpu.memory_space<vmem>>, vector<200x392xf32>
    tpu.vector_store %arg2[%swap3A, %swap3A_33], %concatenate3A {strides = array<i32>} : memref<200x392xf32, #tpu.memory_space<vmem>>, vector<200x392xf32>,
    return
  }
  func.func @transform_0(%arg0: i32) -> (i32, i32, i32) {
    %c0_i32 = arith.constant 0 : i32
    %c0_i32_0 = arith.constant 0 : i32
    %c0_i32_1 = arith.constant 0 : i32
    return %arg0, %c0_i32, %c0_i32_0 : i32, i32, i32
  }
  func.func @transform_1(%arg0: i32) -> (i32, i32) {
    %c0_i32 = arith.constant 0 : i32
    %c0_i32_0 = arith.constant 0 : i32
    return %arg0, %c0_i32 : i32, i32
  }
}

</mosaic_0001>

<sc_bundles>
// kernel: kernel.5.cloned.1.call-start
scs
__scs_entry_jumppad:
0x0: {  	(pc) =	sbr.rel $0x88, $3  }
0x1: {  	(tag) =	ssettag $0x0;
	lr =	simm.s32 $0x1  }
0x2: {  	[smem:$0x3F9F] =	sst lr;
	_ =	strace $0xD0000000  }
0x3: {  	_ = 	snop  }
0x4: {  	_ = 	snop  }
0x5: {  	_ = 	snop  }
0x6: {  	_ = 	snop  }
0x7: {  	_ = 	snop  }
__scs_overlays_trampoline_lowered:
0x8: {  	[smem:$0x3FAE] =	sst s0  }
0x9: {  	[smem:$0x3FAF] =	sst s1  }
0xa: {  	[smem:$0x3FB0] =	sst s2  }
0xb: {  	[smem:$0x3FB1] =	sst s3  }
0xc: {  	[smem:$0x3FB2] =	sst s4  }
0xd: {  	[smem:$0x3FB3] =	sst s5  }
0xe: {  	[smem:$0x3FB4] =	sst s6  }
0xf: {  	[smem:$0x3FB5] =	sst s7  }
0x10: {  	[smem:$0x3FB6] =	sst s8  }
0x11: {  	[smem:$0x3FB7] =	sst s9;
	s0 =	simm.s32 @!p0 $0x0  }
0x12: {  	s1 =	sld [smem:$0x3F9D];
	s0 =	simm.s32 @p0 $0x1  }
0x13: {  	[smem:$0x3FB8] =	sst s0;
	s0 =	simm.s32 @!p1 $0x0  }
0x14: {  	s2 =	sld [smem:$0x3F9C];
	s0 =	simm.s32 @p1 $0x1  }
0x15: {  	[smem:$0x3FB9] =	sst s0;
	s0 =	simm.s32 @!p2 $0x0  }
0x16: {  	s3 =	sld [smem:$0x3FDB];
	s0 =	simm.s32 @p2 $0x1  }
0x17: {  	s4 =	simm.s32 $0x1BF5;
	[smem:$0x3FBB] =	sst s0  }
0x18: {  	s0 =	sld [smem:$0x3F9E];
	_ =	swait.ge [sflag:s4], $0x0  }
0x19: {  	s7 =	sld [smem:$0x3F9F]  }
0x1a: {  	s8 =	sadd.s32 $0xFFFFE003, lr  }
0x1b: {  	s9 =	sadd.s32 $0xFFFFFEF7, lr;
	s5 =	simm.s32 $0xFFFFFFFF;
	p2 =	slt.u32 s8, $0xFFFFF086  }
0x1c: {  	p1 =	slt.u32 s9, $0xF7A;
	s5 =	simm.s32 @!p2 $0x0  }
0x1d: {  	s5 =	simm.s32 @p1 $0x1;
	p0 =	seq.s32 s7, s2  }
0x1e: {  	s7 =	smul.u32 @!p0 $0xF7A, s2;
	p2 =	seq.s32 @!p0 s5, $0x0  }
0x1f: {  	s9 =	smul.u32 $0xF7A, s1;
	s8 =	simm.s32 @!p0 $0x1BF5;
	p2 =	por !p2, p0  }
0x20: {  	[sflag:s8] =	ssyncset.s32 @!p0 $0xFFFFF086;
	s6 =	sadd.s32 @!p0 s3, s7;
	s7 =	simm.s32 @!p0 $0x108  }
0x21: {  	s3 =	sadd.s32 s3, s9;
	s6 =	sadd.s32 @!p0 $0x88, s6;
	s7 =	simm.s32 @p2 $0x1082  }
0x22: {  	[simem:s7], [sflag:s8] =	dma.local @!p0 [hbm:s6], $0xF7A  }
0x23: {  	s9 =	sor.u32 $0xD0000000, s2;
	s6 =	simm.s32 $0x108;
	_ =	swait.ge @!p0 [sflag:s8], $0x0  }
0x24: {  	s3 =	sadd.s32 $0x88, s3;
	s6 =	simm.s32 @!p1 $0x1082;
	[sflag:s4] =	ssyncset.s32 $0xFFFFF086  }
0x25: {  	[simem:s6], [sflag:s4] =	dma.local [hbm:s3], $0xF7A  }
0x26: {  	[smem:$0x3F9F] =	sst s1;
	(tag) =	ssettag s2;
	_ =	strace s9  }
0x27: {  	s1 =	sld [smem:$0x3FAF]  }
0x28: {  	s2 =	sld [smem:$0x3FB0]  }
0x29: {  	s4 =	sld [smem:$0x3FB2]  }
0x2a: {  	p0 =	seq.s32 s5, $0x0;
	s5 =	sld [smem:$0x3FB3]  }
0x2b: {  	s6 =	sld [smem:$0x3FB4]  }
0x2c: {  	s7 =	sld [smem:$0x3FB5]  }
0x2d: {  	s3 =	simm.s32 $0x108;
	s8 =	sld [smem:$0x3FB6]  }
0x2e: {  	s3 =	simm.s32 @!p0 $0x1082;
	s9 =	sld [smem:$0x3FB7]  }
0x2f: {  	lr =	sadd.s32 s0, s3;
	s0 =	sld [smem:$0x3FAE]  }
0x30: {  	s3 =	sld [smem:$0x3FB1]  }
0x31: {  	[smem:$0x3FBA] =	sst s10  }
0x32: {  	s10 =	sld [smem:$0x3FB8];
	_ =	sdelay $0x3  }
0x33: {  	p0 =	seq.s32 s10, $0x1;
	s10 =	sld [smem:$0x3FBA];
	_ =	sdelay $0x3  }
0x34: {  	[smem:$0x3FBA] =	sst s10  }
0x35: {  	s10 =	sld [smem:$0x3FB9];
	_ =	sdelay $0x3  }
0x36: {  	p1 =	seq.s32 s10, $0x1;
	s10 =	sld [smem:$0x3FBA];
	_ =	sdelay $0x3  }
0x37: {  	[smem:$0x3FBA] =	sst s10  }
0x38: {  	s10 =	sld [smem:$0x3FBB]  }
0x39: {  	_ = 	snop;
	(pc) =	sbr.ind lr, $3  }
0x3a: {  	_ = 	snop  }
0x3b: {  	_ = 	snop  }
0x3c: {  	p2 =	seq.s32 s10, $0x1;
	s10 =	sld [smem:$0x3FBA]  }
0x3d: {  	_ =	shalt  }
0x3e: {  	_ =	shalt  }
0x3f: {  	_ =	shalt  }
0x40: {  	_ =	shalt  }
0x41: {  	_ =	shalt  }
0x42: {  	_ =	shalt  }
0x43: {  	_ =	shalt  }
0x44: {  	_ =	shalt  }
0x45: {  	_ =	shalt  }
0x46: {  	_ =	shalt  }
0x47: {  	_ =	shalt  }
0x48: {  	_ =	shalt  }
0x49: {  	_ =	shalt  }
0x4a: {  	_ =	shalt  }
0x4b: {  	_ =	shalt  }
0x4c: {  	_ =	shalt  }
0x4d: {  	_ =	shalt  }
0x4e: {  	_ =	shalt  }
0x4f: {  	_ =	shalt  }
0x50: {  	_ =	shalt  }
0x51: {  	_ =	shalt  }
0x52: {  	_ =	shalt  }
0x53: {  	_ =	shalt  }
0x54: {  	_ =	shalt  }
0x55: {  	_ =	shalt  }
0x56: {  	_ =	shalt  }
0x57: {  	_ =	shalt  }
0x58: {  	_ =	shalt  }
0x59: {  	_ =	shalt  }
0x5a: {  	_ =	shalt  }
0x5b: {  	_ =	shalt  }
0x5c: {  	_ =	shalt  }
0x5d: {  	_ =	shalt  }
0x5e: {  	_ =	shalt  }
0x5f: {  	_ =	shalt  }
0x60: {  	_ =	shalt  }
0x61: {  	_ =	shalt  }
0x62: {  	_ =	shalt  }
0x63: {  	_ =	shalt  }
0x64: {  	_ =	shalt  }
0x65: {  	_ =	shalt  }
0x66: {  	_ =	shalt  }
0x67: {  	_ =	shalt  }
0x68: {  	_ =	shalt  }
0x69: {  	_ =	shalt  }
0x6a: {  	_ =	shalt  }
0x6b: {  	_ =	shalt  }
0x6c: {  	_ =	shalt  }
0x6d: {  	_ =	shalt  }
0x6e: {  	_ =	shalt  }
0x6f: {  	_ =	shalt  }
0x70: {  	_ =	shalt  }
0x71: {  	_ =	shalt  }
0x72: {  	_ =	shalt  }
0x73: {  	_ =	shalt  }
0x74: {  	_ =	shalt  }
0x75: {  	_ =	shalt  }
0x76: {  	_ =	shalt  }
0x77: {  	_ =	shalt  }
0x78: {  	_ =	shalt  }
0x79: {  	_ =	shalt  }
0x7a: {  	_ =	shalt  }
0x7b: {  	_ =	shalt  }
0x7c: {  	_ =	shalt  }
0x7d: {  	_ =	shalt  }
0x7e: {  	_ =	shalt  }
0x7f: {  	_ =	shalt  }
0x80: {  	_ =	shalt  }
0x81: {  	_ =	shalt  }
0x82: {  	_ =	shalt  }
0x83: {  	_ =	shalt  }
0x84: {  	_ =	shalt  }
0x85: {  	_ =	shalt  }
0x86: {  	_ =	shalt  }
0x87: {  	_ =	shalt  }
.Lfunc_end0:
.L_simem_size_0:
called_computation_lowered:
.L_overlay_start_0:
0x88: {  	s2 =	sld [smem:$0x3FD9]  }
0x89: {  	s3 =	sld [smem:$0x3FFE];
	_ =	sdelay $0x1  }
0x8a: {  	s1 =	srdreg.scid  }
0x8b: {  	s0 =	sand.u32 $0x1, s1  }
0x8c: {  	s14 =	sshll.u32 s0, $0xA;
	s2 =	sadd.s32 s3, s2  }
0x8d: {  	s2 =	sadd.s32 s2, s14  }
0x8e: {  	[smem:$0x3FC6] =	sst s2  }
0x8f: {  	_ = 	snop  }
0x90: {  	s2 =	sld [smem:$0x3FD0];
	_ =	sdelay $0x2  }
0x91: {  	s15 =	simm.s32 $0xA;
	s4 =	simm.s32 $0x10  }
0x92: {  	[smem:s4], [sflag:s15] =	dma.local [hbm:s2], $0x1  }
0x93: {  	_ =	swait.eq [sflag:s15], $0x1  }
0x94: {  	[sflag:s15] =	ssyncset.done $0x0  }
0x95: {  	[sflag:s15] =	ssyncadd.s32 $0xFFFFFFFF  }
0x96: {  	s16 =	sld [smem:$0x11];
	(tm) =	ssettm $0x1  }
0x97: {  	s17 =	sld [smem:$0x3FFB];
	_ =	sdelay $0x3  }
0x98: {  	_ =	strace s17  }
0x99: {  	s3 =	sld [smem:$0x3FFC];
	_ =	sdelay $0x3  }
0x9a: {  	_ =	strace s3  }
0x9b: {  	s3 =	sld [smem:$0x3FFD];
	_ =	sdelay $0x3  }
0x9c: {  	_ =	strace s3  }
0x9d: {  	_ =	strace $0x8FFFFFFF  }
0x9e: {  	s18 =	sld [smem:$0x3FDB];
	_ =	sdelay $0x1  }
0x9f: {  	s19 =	simm.s32 $_scs_section_size  }
0xa0: {  	s5 =	simm.s32 $_size__tile_overlayer_lowered;
	s6 =	simm.s32 $_tile_overlayer_lowered  }
0xa1: {  	s22 =	simm.s32 $0x1BFF;
	s21 =	sshll.u32 s6, $0x1;
	s3 =	sadd.s32 s19, s18  }
0xa2: {  	s7 =	simm.s32 $0x0;
	s20 =	sshll.u32 s5, $0x1;
	s5 =	sadd.s32 s21, s3  }
0xa3: {  	[timem:s7], [sflag:s22] =	dma.local [hbm:s5], s20  }
0xa4: {  	_ =	swait.ge [sflag:s22], s20  }
0xa5: {  	s4 =	ssub.s32 $0x0, s20;
	[sflag:s22] =	ssyncset.done $0x0  }
0xa6: {  	[sflag:s22] =	ssyncadd.s32 s4;
	_ =	sdelay $0x1  }
0xa7: {  	s23 =	simm.s32 $0x1B8B  }
0xa8: {  	_ =	swait.ge [sflag:s23], $0x1  }
0xa9: {  	[sflag:s23] =	ssyncset.done $0x0  }
0xaa: {  	s25 =	simm.s32 $0x1B8E;
	s24 =	sld [smem:$0x3FFE];
	[sflag:s23] =	ssyncadd.s32 $0xFFFFFFFF  }
0xab: {  	s26 =	simm.s32 $execute0_lowered;
	[smem:$0x3FD2] =	sst s25  }
0xac: {  	s5 =	sshll.u32 s26, $0x1;
	_ =	strace $0x80000046;
	[dreg:$0x1] =	wrdreg $0xFFFFFFFF  }
0xad: {  	s28 =	simm.s32 $_size_execute0_lowered;
	s3 =	sadd.s32 s3, s5;
	[dreg:$0x0] =	wrdreg $0x0  }
0xae: {  	s5 =	sshll.u32 s28, $0x1;
	[dreg:$0x2] =	wrdreg s3  }
0xaf: {  	[dreg:$0x3] =	wrdreg s5  }
0xb0: {  	[dreg:$0x4] =	wrdreg $0xC0  }
0xb1: {  	_ =	task [dreg:s7], $0x5FFFF  }
0xb2: {  	[dreg:$0x1] =	wrdreg $0xFFFFFFFF  }
0xb3: {  	[dreg:$0x0] =	wrdreg $0x60  }
0xb4: {  	[dreg:$0x2] =	wrdreg s24  }
0xb5: {  	[dreg:$0x3] =	wrdreg s16  }
0xb6: {  	[dreg:$0x4] =	wrdreg $0x9  }
0xb7: {  	_ =	task.clear_ibuf [dreg:s7], $0x5FFFF;
	_ =	strace $0x90000046  }
0xb8: {  	s29 =	simm.s32 $0x9;
	_ =	strace $0x80000048  }
0xb9: {  	_ =	swait.ge [sflag:s29], $0x1  }
0xba: {  	[sflag:s29] =	ssyncadd.s32 $0xFFFFFFFF  }
0xbb: {  	_ =	strace $0x90000048  }
0xbc: {  	_ =	sfence  }
0xbd: {  	s30 =	sld [smem:$0x0];
	_ =	sdelay $0x2  }
0xbe: {  	s31 =	sshll.u32 s1, $0xD;
	s1 =	sshrl.u32 s1, $0x2  }
0xbf: {  	s3 =	sand.u32 $0x4000, s31;
	s1 =	sadd.s32 s1, s30  }
0xc0: {  	s0 =	sor.u32 s3, s0;
	s1 =	sshll.u32 s1, $0x11  }
0xc1: {  	s0 =	sor.u32 s1, s0  }
0xc2: {  	s0 =	sadd.s32 $0x8F2B, s0  }
0xc3: {  	[sflag:s0] =	ssyncadd.remote.s32 $0x1  }
0xc4: {  	_ =	sfence.sel $0xFFFF  }
0xc5: {  	[dreg:$0x0] =	wrdreg $0xFFFFFFFF;
	(pc) =	sbr.abs _section_cstart, $3  }
0xc6: {  	[dreg:$0x1] =	wrdreg $0xFFFFFFFF  }
0xc7: {  	_ =	task.clear_ibuf [dreg:s7], $0x2FFFF;
	_ =	strace $0x9FFFFFFF  }
0xc8: {  	(tm) =	ssettm $0x7FFFFFFF  }
0xc9: {  	_ =	shalt  }
tec
execute0_lowered:
.L_overlay_start_1:
0x0: {  	(tag) =	ssettag $0x1  }
0x1: {  	v15 =	vlaneseq.u32  }
0x2: {  	v2 =	vor.u32 $0x300, v15  }
0x3: {  	v3 =	vimm.s32 $0xEFCDAB89;
	v1 =	vimm.s32 $0x67452301;
	v7 =	vor.u32 $0x380, v15;
	[tilespmem:$0x1FE10] =	vst v2  }
0x4: {  	v4 =	vimm.s32 $0x32107654;
	v5 =	vimm.s32 $0xFEDCBA98;
	v63 =	vor.u32 $0x390, v15;
	[tilespmem:$0x1FE90] =	vst v7  }
0x5: {  	v6 =	vimm.s32 $0x76543210;
	v58 =	vor.u32 $0x10, v15;
	v2 =	vor.u32 $0x310, v15;
	[tilespmem:$0x1FEA0] =	vst v63  }
0x6: {  	v30 =	vor.u32 $0x20, v15;
	v31 =	vor.u32 $0x30, v15;
	[tilespmem:$0x1FE20] =	vst v2;
	v2 =	vor.u32 $0x320, v15  }
0x7: {  	v32 =	vor.u32 $0x40, v15;
	v20 =	vor.u32 $0x50, v15;
	[tilespmem:$0x1FE30] =	vst v2;
	v2 =	vor.u32 $0x330, v15  }
0x8: {  	v34 =	vor.u32 $0x60, v15;
	v24 =	vor.u32 $0x70, v15;
	[tilespmem:$0x1FE40] =	vst v2;
	v2 =	vor.u32 $0x340, v15  }
0x9: {  	v29 =	vor.u32 $0x80, v15;
	v9 =	vor.u32 $0x90, v15;
	[tilespmem:$0x1FE50] =	vst v2;
	v2 =	vor.u32 $0x350, v15  }
0xa: {  	s4 =	rddreg [dreg:$0x0];
	v10 =	vor.u32 $0xA0, v15;
	v11 =	vor.u32 $0xB0, v15;
	[tilespmem:$0x1FE60] =	vst v2;
	v2 =	vor.u32 $0x360, v15  }
0xb: {  	s5 =	rddreg [dreg:$0x1];
	s2 =	simm.s32 $0x0;
	v12 =	vor.u32 $0xC0, v15;
	v13 =	vor.u32 $0xD0, v15;
	[tilespmem:$0x1FE70] =	vst v2;
	v2 =	vor.u32 $0x370, v15  }
0xc: {  	v14 =	vor.u32 $0xE0, v15;
	v35 =	vor.u32 $0xF0, v15;
	v22 =	vor.u32 $0x100, v15;
	[smem:$0x7FF] =	sst s2;
	[tilespmem:$0x1FE80] =	vst v2  }
0xd: {  	s0 =	rddreg [dreg:$0x2];
	v23 =	vor.u32 $0x110, v15;
	v21 =	vor.u32 $0x120, v15;
	v33 =	vor.u32 $0x130, v15;
	_ =	strace $0x80000047;
	[tilespmem:$0x1FED0] =	vst v11  }
0xe: {  	v25 =	vor.u32 $0x140, v15;
	v36 =	vor.u32 $0x150, v15;
	v0 =	vor.u32 $0x160, v15;
	[tilespmem:$0x1FEE0] =	vst v12  }
0xf: {  	v37 =	vor.u32 $0x170, v15;
	v38 =	vor.u32 $0x180, v15;
	v39 =	vor.u32 $0x190, v15;
	[tilespmem:$0x1FEF0] =	vst v14  }
0x10: {  	v40 =	vor.u32 $0x1A0, v15;
	v28 =	vor.u32 $0x1B0, v15;
	v41 =	vor.u32 $0x1C0, v15;
	[tilespmem:$0x1FF00] =	vst v10  }
0x11: {  	v43 =	vor.u32 $0x1D0, v15;
	v44 =	vor.u32 $0x1E0, v15;
	v45 =	vor.u32 $0x1F0, v15;
	[tilespmem:$0x1FF10] =	vst v30  }
0x12: {  	v46 =	vor.u32 $0x200, v15;
	v47 =	vor.u32 $0x210, v15;
	v48 =	vor.u32 $0x220, v15;
	[tilespmem:$0x1FF20] =	vst v31  }
0x13: {  	v49 =	vor.u32 $0x230, v15;
	v50 =	vor.u32 $0x240, v15;
	v51 =	vor.u32 $0x250, v15;
	[tilespmem:$0x1FF30] =	vst v32  }
0x14: {  	v52 =	vor.u32 $0x260, v15;
	v53 =	vor.u32 $0x270, v15;
	v54 =	vor.u32 $0x280, v15;
	[tilespmem:$0x1FF40] =	vst v13  }
0x15: {  	v55 =	vor.u32 $0x290, v15;
	v3 =	vunpack.c.l.s4.s8 v3;
	v1 =	vunpack.c.l.s4.s8 v1;
	[tilespmem:$0x1FF50] =	vst v35  }
0x16: {  	v56 =	vor.u32 $0x2A0, v15;
	v57 =	vor.u32 $0x2B0, v15;
	v16 =	vor.u32 $0x2C0, v15;
	[tilespmem:$0x1FF60] =	vst v22  }
0x17: {  	v60 =	vor.u32 $0x2D0, v15;
	v3 =	vunpack.c.0.s8.s32 v3;
	v1 =	vunpack.c.0.s8.s32 v1;
	[tilespmem:$0x1FF70] =	vst v23  }
0x18: {  	v18 =	vor.u32 $0x2E0, v15;
	v19 =	vor.u32 $0x2F0, v15;
	v4 =	vunpack.c.l.s4.s8 v4;
	[tilespmem:$0x1FF80] =	vst v21  }
0x19: {  	v8 =	vcombine.low v1, v3;
	v1 =	vimm.s32 $0xDCFE98BA;
	v2 =	vimm.s32 $0x54761032;
	[tilespmem:$0x1FF90] =	vst v25  }
0x1a: {  	v3 =	vimm.s32 $0xBA98FEDC;
	v1 =	vunpack.c.l.s4.s8 v1;
	v2 =	vunpack.c.l.s4.s8 v2;
	[tilespmem:$0x1FFA0] =	vst v36  }
0x1b: {  	v5 =	vunpack.c.l.s4.s8 v5;
	v6 =	vunpack.c.l.s4.s8 v6;
	v3 =	vunpack.c.l.s4.s8 v3;
	[tilespmem:$0x1FFB0] =	vst v20  }
0x1c: {  	s3 =	srdreg.scid;
	v17 =	vor.u32 $0x3B0, v15;
	v1 =	vunpack.c.0.s8.s32 v1;
	[tilespmem:$0x1FFC0] =	vst v0;
	v2 =	vunpack.c.0.s8.s32 v2  }
0x1d: {  	s1 =	stileid.u32;
	s9 =	simm.s32 $0x0;
	s3 =	sand.u32 $0x1, s3;
	v4 =	vunpack.c.0.s8.s32 v4;
	v5 =	vunpack.c.0.s8.s32 v5;
	v3 =	vunpack.c.0.s8.s32 v3;
	[tilespmem:$0x1FFD0] =	vst v34  }
0x1e: {  	s7 =	sshll.u32 s1, $0xA;
	v26 =	vor.u32 $0x3C0, v15;
	s6 =	ssub.s32 $0x2, s3;
	s3 =	sshll.u32 s3, $0x9;
	[tilespmem:$0x1FFE0] =	vst v58;
	v1 =	vcombine.low v2, v1;
	v2 =	vunpack.c.0.s8.s32 v6  }
0x1f: {  	s4 =	sadd.s32 $0x200400, s4;
	s8 =	sshrl.u32 s6, $0x1;
	s3 =	sor.u32 s3, s7;
	v3 =	vcombine.low v4, v3;
	v4 =	vand.u32 $0xF, v5;
	v5 =	vor.u32 $0x3A0, v15;
	[tilespmem:$0x1FFF0] =	vst v28  }
0x20: {  	s6 =	ssub.s32 s6, s8;
	s7 =	sshrl.u32 s3, $0x3;
	s8 =	simm.s32 $0x3E80;
	v61 =	vand.u32 $0xF, v8;
	[tilespmem:$0x1FEB0] =	vst v5;
	v59 =	vcombine.low v4, v2;
	v2 =	vadd.s32 $0x3D8, v15  }
0x21: {  	s5 =	sadd.s32 s5, s7;
	s6 =	smax.u32 s6, $0x1;
	s7 =	simm.s32 $0x1;
	v63 =	vand.u32 $0xF, v3;
	v3 =	vor.u32 $0x3D0, v15;
	v62 =	vand.u32 $0xF, v1;
	[tilespmem:$0x1FEC0] =	vst v2  }
.LBB2_1:
0x22: {  	s10 =	simm.s32 $0x0;
	v1 =	vmov v0  }
.LBB2_2:
0x23: {  	s11 =	sshll.u32 s10, $0x4  }
0x24: {  	s12 =	sadd.s32 s3, s11  }
0x25: {  	s12 =	smul.u32 $0x7D, s12;
	_ =	sdelay $0x1  }
0x26: {  	s13 =	simm.s32 $0x0;
	s12 =	sadd.s32 s4, s12  }
0x27: {  	[tilespmem:s13], [sflag:$0x1] =	stream.linear.gather [hbm4b:s12+s13], $0x3E80, $0x38;
	[tilespmem:$0x4080] =	vst v63  }
0x28: {  	_ =	swait.ge [sflag:s7], $0x3E80  }
0x29: {  	[sflag:s7] =	ssyncset.done $0x0  }
0x2a: {  	s14 =	simm.s32 $0x1F0;
	[sflag:s7] =	ssyncadd.s32 $0xFFFFC180  }
0x2b: {  	v27 =	vmov v3;
	v3 =	vld [tilespmem:s14+$0xFFFFFE10];
	_ =	sdelay $0x1  }
0x2c: {  	v4 =	vld [tilespmem:s14+$0xFFFFFE20];
	_ =	sdelay $0x1  }
0x2d: {  	v5 =	vld [tilespmem:s14+$0xFFFFFE30]  }
0x2e: {  	vm0 =	vlt.f32 v3, $3.399999950e+38  }
0x2f: {  	v0 =	vimm.s32 $0x0;
	v6 =	vld [tilespmem:s14+$0xFFFFFE40];
	v3 =	vnsel vm0, $0x7F7FC99E, v3  }
0x30: {  	v0 =	vsel vm0, $0xFFFFFFFF, v0;
	vm0 =	vlt.f32 v4, v3  }
0x31: {  	v3 =	vsel vm0, v4, v3;
	v4 =	vld [tilespmem:s14+$0xFFFFFE50]  }
0x32: {  	vm12 =	vlt.f32 v5, v3  }
0x33: {  	v3 =	vsel vm12, v5, v3;
	v5 =	vld [tilespmem:s14+$0xFFFFFE60]  }
0x34: {  	vm15 =	vlt.f32 v6, v3  }
0x35: {  	v3 =	vsel vm15, v6, v3;
	v6 =	vld [tilespmem:s14+$0xFFFFFE70]  }
0x36: {  	vm6 =	vlt.f32 v4, v3  }
0x37: {  	v3 =	vsel vm6, v4, v3;
	v4 =	vld [tilespmem:s14+$0xFFFFFE80]  }
0x38: {  	vm7 =	vlt.f32 v5, v3  }
0x39: {  	v3 =	vsel vm7, v5, v3;
	v5 =	vld [tilespmem:s14+$0xFFFFFE90]  }
0x3a: {  	vm5 =	vlt.f32 v6, v3  }
0x3b: {  	v3 =	vsel vm5, v6, v3;
	v6 =	vld [tilespmem:s14+$0xFFFFFEA0]  }
0x3c: {  	vm8 =	vlt.f32 v4, v3  }
0x3d: {  	v3 =	vsel vm8, v4, v3;
	v4 =	vld [tilespmem:s14+$0xFFFFFEB0]  }
0x3e: {  	vm9 =	vlt.f32 v5, v3  }
0x3f: {  	v3 =	vsel vm9, v5, v3;
	v5 =	vld [tilespmem:s14+$0xFFFFFEC0]  }
0x40: {  	vm10 =	vlt.f32 v6, v3  }
0x41: {  	v3 =	vsel vm10, v6, v3;
	v6 =	vld [tilespmem:s14+$0xFFFFFED0]  }
0x42: {  	vm1 =	vlt.f32 v4, v3  }
0x43: {  	v3 =	vsel vm1, v4, v3;
	v4 =	vld [tilespmem:s14+$0xFFFFFEE0]  }
0x44: {  	vm2 =	vlt.f32 v5, v3  }
0x45: {  	v3 =	vsel vm2, v5, v3;
	v5 =	vld [tilespmem:s14+$0xFFFFFEF0]  }
0x46: {  	vm3 =	vlt.f32 v6, v3  }
0x47: {  	v3 =	vsel vm3, v6, v3;
	v6 =	vld [tilespmem:s14+$0xFFFFFF00]  }
0x48: {  	vm4 =	vlt.f32 v4, v3  }
0x49: {  	v3 =	vsel vm4, v4, v3;
	v4 =	vld [tilespmem:s14+$0xFFFFFF10]  }
0x4a: {  	vm11 =	vlt.f32 v5, v3  }
0x4b: {  	v3 =	vsel vm11, v5, v3;
	v5 =	vld [tilespmem:s14+$0xFFFFFF20]  }
0x4c: {  	[tilespmem:$0x1FB40] =	vst v0;
	v0 =	vimm.s32 $0x0;
	vm14 =	vlt.f32 v6, v3  }
0x4d: {  	v0 =	vsel vm0, $0xFFFFFFFF, v0;
	v3 =	vsel vm14, v6, v3;
	v6 =	vld [tilespmem:s14+$0xFFFFFF30]  }
0x4e: {  	[tilespmem:$0x1FB50] =	vst v0;
	v0 =	vimm.s32 $0x0;
	vm0 =	vlt.f32 v4, v3  }
0x4f: {  	v0 =	vsel vm0, $0xFFFFFFFF, v0;
	v3 =	vsel vm0, v4, v3;
	v4 =	vld [tilespmem:s14+$0xFFFFFF40]  }
0x50: {  	[tilespmem:$0x1FB60] =	vst v0;
	vm0 =	vlt.f32 v5, v3;
	v0 =	vimm.s32 $0x0  }
0x51: {  	v0 =	vsel vm0, $0xFFFFFFFF, v0;
	v3 =	vsel vm0, v5, v3;
	v5 =	vld [tilespmem:s14+$0xFFFFFF50]  }
0x52: {  	[tilespmem:$0x1FB70] =	vst v0;
	vm0 =	vlt.f32 v6, v3;
	v0 =	vimm.s32 $0x0  }
0x53: {  	v0 =	vsel vm0, $0xFFFFFFFF, v0;
	v3 =	vsel vm0, v6, v3;
	v6 =	vld [tilespmem:s14+$0xFFFFFF60]  }
0x54: {  	[tilespmem:$0x1FB80] =	vst v0;
	vm0 =	vlt.f32 v4, v3;
	v0 =	vimm.s32 $0x0  }
0x55: {  	v0 =	vsel vm0, $0xFFFFFFFF, v0;
	v3 =	vsel vm0, v4, v3;
	v4 =	vld [tilespmem:s14+$0xFFFFFF70]  }
0x56: {  	[tilespmem:$0x1FB90] =	vst v0;
	vm0 =	vlt.f32 v5, v3;
	v0 =	vimm.s32 $0x0  }
0x57: {  	v0 =	vsel vm0, $0xFFFFFFFF, v0;
	v3 =	vsel vm0, v5, v3;
	v5 =	vld [tilespmem:s14+$0xFFFFFF80]  }
0x58: {  	[tilespmem:$0x1FBA0] =	vst v0;
	vm0 =	vlt.f32 v6, v3;
	v0 =	vimm.s32 $0x0  }
0x59: {  	v0 =	vsel vm0, $0xFFFFFFFF, v0;
	v3 =	vsel vm0, v6, v3;
	v6 =	vld [tilespmem:s14+$0xFFFFFF90]  }
0x5a: {  	[tilespmem:$0x1FBB0] =	vst v0;
	vm0 =	vlt.f32 v4, v3;
	v0 =	vimm.s32 $0x0  }
0x5b: {  	v0 =	vsel vm0, $0xFFFFFFFF, v0;
	v3 =	vsel vm0, v4, v3;
	v4 =	vld [tilespmem:s14+$0xFFFFFFA0]  }
0x5c: {  	[tilespmem:$0x1FBC0] =	vst v0;
	vm0 =	vlt.f32 v5, v3;
	v0 =	vimm.s32 $0x0  }
0x5d: {  	v0 =	vsel vm0, $0xFFFFFFFF, v0;
	v3 =	vsel vm0, v5, v3;
	v5 =	vld [tilespmem:s14+$0xFFFFFFB0]  }
0x5e: {  	[tilespmem:$0x1FBD0] =	vst v0;
	vm0 =	vlt.f32 v6, v3;
	v0 =	vimm.s32 $0x0  }
0x5f: {  	v0 =	vsel vm0, $0xFFFFFFFF, v0;
	v3 =	vsel vm0, v6, v3;
	v6 =	vld [tilespmem:s14+$0xFFFFFFC0]  }
0x60: {  	[tilespmem:$0x1FBE0] =	vst v0;
	vm0 =	vlt.f32 v4, v3;
	v0 =	vimm.s32 $0x0  }
0x61: {  	v0 =	vsel vm0, $0xFFFFFFFF, v0;
	v3 =	vsel vm0, v4, v3;
	v4 =	vld [tilespmem:s14+$0xFFFFFFD0]  }
0x62: {  	[tilespmem:$0x1FBF0] =	vst v0;
	vm0 =	vlt.f32 v5, v3;
	v0 =	vimm.s32 $0x0  }
0x63: {  	v0 =	vsel vm0, $0xFFFFFFFF, v0;
	v3 =	vsel vm0, v5, v3;
	v5 =	vld [tilespmem:s14+$0xFFFFFFE0]  }
0x64: {  	[tilespmem:$0x1FC00] =	vst v0;
	vm0 =	vlt.f32 v6, v3;
	v0 =	vimm.s32 $0x0  }
0x65: {  	v0 =	vsel vm0, $0xFFFFFFFF, v0;
	v3 =	vsel vm0, v6, v3;
	v6 =	vld [tilespmem:s14+$0xFFFFFFF0]  }
0x66: {  	[tilespmem:$0x1FC10] =	vst v0;
	vm0 =	vlt.f32 v4, v3;
	v0 =	vimm.s32 $0x0  }
0x67: {  	v0 =	vsel vm0, $0xFFFFFFFF, v0;
	v3 =	vsel vm0, v4, v3;
	v4 =	vld [tilespmem:s14+$0x0]  }
0x68: {  	[tilespmem:$0x1FC20] =	vst v0;
	vm0 =	vlt.f32 v5, v3;
	v0 =	vimm.s32 $0x0  }
0x69: {  	v0 =	vsel vm0, $0xFFFFFFFF, v0;
	v3 =	vsel vm0, v5, v3  }
0x6a: {  	[tilespmem:$0x1FC30] =	vst v0;
	vm0 =	vlt.f32 v6, v3;
	v0 =	vimm.s32 $0x0  }
0x6b: {  	v0 =	vsel vm0, $0xFFFFFFFF, v0;
	v3 =	vsel vm0, v6, v3  }
0x6c: {  	[tilespmem:$0x1FC40] =	vst v0;
	vm0 =	vlt.f32 v4, v3;
	v0 =	vimm.s32 $0x0  }
0x6d: {  	v0 =	vsel vm0, $0xFFFFFFFF, v0  }
0x6e: {  	[tilespmem:$0x1FC50] =	vst v0;
	v0 =	vld [tilespmem:$0x1FB40];
	_ =	sdelay $0x4  }
0x6f: {  	vm13 =	vnez.u8 v0;
	v0 =	vld [tilespmem:$0x1FB50];
	_ =	sdelay $0x1  }
0x70: {  	v5 =	vld [tilespmem:s14+$0x10];
	_ =	sdelay $0x1  }
0x71: {  	v6 =	vld [tilespmem:s14+$0x20]  }
0x72: {  	v3 =	vsel vm0, v4, v3;
	v7 =	vnsel vm13, $0x0, v15;
	vm0 =	vnez.u8 v0  }
0x73: {  	v4 =	vld [tilespmem:s14+$0x30];
	v7 =	vsel vm0, v58, v7  }
0x74: {  	vm0 =	vlt.f32 v5, v3;
	v7 =	vsel vm12, v30, v7  }
0x75: {  	v0 =	vimm.s32 $0x0;
	v3 =	vsel vm0, v5, v3;
	v5 =	vld [tilespmem:s14+$0x40];
	v7 =	vsel vm15, v31, v7  }
0x76: {  	v0 =	vsel vm0, $0xFFFFFFFF, v0;
	vm0 =	vlt.f32 v6, v3;
	v7 =	vsel vm6, v32, v7  }
0x77: {  	v3 =	vsel vm0, v6, v3;
	v6 =	vld [tilespmem:s14+$0x50];
	v7 =	vsel vm7, v20, v7  }
0x78: {  	vm6 =	vmmov vm0;
	vm0 =	vlt.f32 v4, v3;
	v7 =	vsel vm5, v34, v7  }
0x79: {  	v3 =	vsel vm0, v4, v3;
	v4 =	vld [tilespmem:s14+$0x60];
	v7 =	vsel vm8, v24, v7  }
0x7a: {  	vm15 =	vlt.f32 v5, v3;
	v7 =	vsel vm9, v29, v7  }
0x7b: {  	s12 =	simm.s32 $0x5D8;
	[tilespmem:$0x1FC60] =	vst v0;
	v0 =	vimm.s32 $0x0;
	v3 =	vsel vm15, v5, v3;
	v5 =	vld [tilespmem:s14+$0x70];
	v7 =	vsel vm10, v9, v7  }
0x7c: {  	v8 =	vld [tilespmem:s12+$0xFFFFFE10];
	v0 =	vsel vm0, $0xFFFFFFFF, v0;
	vm0 =	vlt.f32 v6, v3;
	v7 =	vsel vm1, v10, v7  }
0x7d: {  	v3 =	vsel vm0, v6, v3;
	v6 =	vld [tilespmem:s14+$0x80];
	v7 =	vsel vm2, v11, v7  }
0x7e: {  	vm8 =	vlt.f32 v4, v3;
	v7 =	vsel vm3, v12, v7;
	v12 =	vld [tilespmem:$0x1FB60]  }
0x7f: {  	v42 =	vmovc v41;
	v41 =	vmovc v28;
	v28 =	vmov v9;
	[tilespmem:$0x1FC80] =	vst v0;
	v0 =	vimm.s32 $0x0;
	v9 =	vld [tilespmem:s12+$0xFFFFFE20];
	v4 =	vsel vm8, v4, v3  }
0x80: {  	v0 =	vsel vm0, $0xFFFFFFFF, v0;
	v3 =	vsel vm4, v13, v7;
	vm12 =	vlt.f32 v5, v4  }
0x81: {  	vm0 =	vlt.f32 v8, $3.399999950e+38;
	v11 =	vsel vm11, v14, v3;
	v4 =	vsel vm12, v5, v4  }
0x82: {  	v3 =	vnsel vm0, $0x0, v15;
	v5 =	vnsel vm0, $0x7F7FC99E, v8;
	vm3 =	vlt.f32 v6, v4  }
0x83: {  	v8 =	vsel vm14, v35, v11;
	v4 =	vsel vm3, v6, v4;
	vm0 =	vnez.u8 v12  }
0x84: {  	v6 =	vimm.s32 $0x0;
	v8 =	vsel vm0, v22, v8;
	vm0 =	vlt.f32 v9, v5  }
0x85: {  	v10 =	vld [tilespmem:s14+$0x90];
	v6 =	vsel vm0, $0xFFFFFFFF, v6  }
0x86: {  	[tilespmem:$0x1FD10] =	vst v6;
	v6 =	vld [tilespmem:$0x1FB70]  }
0x87: {  	v5 =	vsel vm0, v9, v5;
	v9 =	vld [tilespmem:$0x1FB80]  }
0x88: {  	v7 =	vld [tilespmem:s12+$0xFFFFFE30];
	_ =	sdelay $0x2  }
0x89: {  	vm7 =	vlt.f32 v10, v4;
	vm1 =	vnez.u8 v6  }
0x8a: {  	v4 =	vsel vm7, v10, v4;
	vm0 =	vnez.u8 v9;
	v6 =	vsel vm1, v23, v8  }
0x8b: {  	v10 =	vimm.s32 $0x0;
	v6 =	vsel vm0, v21, v6;
	vm0 =	vlt.f32 v7, v5  }
0x8c: {  	v10 =	vsel vm0, $0xFFFFFFFF, v10  }
0x8d: {  	[tilespmem:$0x1FD30] =	vst v10;
	v10 =	vld [tilespmem:$0x1FB90];
	_ =	sdelay $0x2  }
0x8e: {  	[tilespmem:$0x1FD20] =	vst v3;
	v3 =	vld [tilespmem:s14+$0xA0];
	_ =	sdelay $0x1  }
0x8f: {  	vm1 =	vnez.u8 v10;
	v10 =	vld [tilespmem:$0x1FBA0]  }
0x90: {  	v11 =	vld [tilespmem:s12+$0xFFFFFE40];
	_ =	sdelay $0x1  }
0x91: {  	vm2 =	vlt.f32 v3, v4  }
0x92: {  	v3 =	vsel vm2, v3, v4  }
0x93: {  	v5 =	vsel vm0, v7, v5;
	v6 =	vsel vm1, v33, v6;
	vm0 =	vnez.u8 v10  }
0x94: {  	v4 =	vimm.s32 $0x0;
	v6 =	vsel vm0, v25, v6;
	vm0 =	vlt.f32 v11, v5  }
0x95: {  	v14 =	vld [tilespmem:s14+$0xB0];
	v4 =	vsel vm0, $0xFFFFFFFF, v4  }
0x96: {  	[tilespmem:$0x1FD50] =	vst v4;
	v4 =	vld [tilespmem:$0x1FBB0]  }
0x97: {  	v5 =	vsel vm0, v11, v5;
	v11 =	vld [tilespmem:$0x1FBC0]  }
0x98: {  	v8 =	vld [tilespmem:s12+$0xFFFFFE50];
	_ =	sdelay $0x2  }
0x99: {  	vm5 =	vlt.f32 v14, v3;
	vm1 =	vnez.u8 v4  }
0x9a: {  	v3 =	vsel vm5, v14, v3;
	vm0 =	vnez.u8 v11;
	v4 =	vsel vm1, v36, v6  }
0x9b: {  	v14 =	vimm.s32 $0x0;
	v4 =	vsel vm0, v1, v4;
	vm0 =	vlt.f32 v8, v5  }
0x9c: {  	v9 =	vld [tilespmem:s14+$0xC0];
	v14 =	vsel vm0, $0xFFFFFFFF, v14  }
0x9d: {  	[tilespmem:$0x1FD70] =	vst v14;
	v14 =	vld [tilespmem:$0x1FBD0];
	_ =	sdelay $0x4  }
0x9e: {  	vm4 =	vlt.f32 v9, v3;
	vm1 =	vnez.u8 v14;
	v14 =	vld [tilespmem:$0x1FBE0]  }
0x9f: {  	v3 =	vsel vm4, v9, v3;
	v9 =	vld [tilespmem:$0x1FBF0];
	_ =	sdelay $0x2  }
0xa0: {  	v10 =	vld [tilespmem:s14+$0xD0]  }
0xa1: {  	v7 =	vld [tilespmem:s12+$0xFFFFFE60];
	v5 =	vsel vm0, v8, v5;
	v4 =	vsel vm1, v37, v4;
	vm0 =	vnez.u8 v14  }
0xa2: {  	v4 =	vsel vm0, v38, v4;
	vm0 =	vnez.u8 v9;
	v9 =	vld [tilespmem:$0x1FC00]  }
0xa3: {  	v6 =	vld [tilespmem:s12+$0xFFFFFE70];
	_ =	sdelay $0x1  }
0xa4: {  	vm9 =	vlt.f32 v10, v3  }
0xa5: {  	v3 =	vsel vm9, v10, v3;
	vm13 =	vlt.f32 v7, v5  }
0xa6: {  	v5 =	vsel vm13, v7, v5;
	v4 =	vsel vm0, v39, v4;
	vm0 =	vnez.u8 v9  }
0xa7: {  	v10 =	vimm.s32 $0x0;
	v4 =	vsel vm0, v40, v4;
	vm0 =	vlt.f32 v6, v5  }
0xa8: {  	v10 =	vsel vm0, $0xFFFFFFFF, v10  }
0xa9: {  	[tilespmem:$0x1FDA0] =	vst v10;
	v10 =	vld [tilespmem:$0x1FC10];
	_ =	sdelay $0x2  }
0xaa: {  	v11 =	vld [tilespmem:s14+$0xE0];
	_ =	sdelay $0x1  }
0xab: {  	vm1 =	vnez.u8 v10;
	v10 =	vld [tilespmem:$0x1FC20]  }
0xac: {  	v8 =	vld [tilespmem:s12+$0xFFFFFE80];
	_ =	sdelay $0x1  }
0xad: {  	vm10 =	vlt.f32 v11, v3  }
0xae: {  	v3 =	vsel vm10, v11, v3  }
0xaf: {  	v5 =	vsel vm0, v6, v5;
	v4 =	vsel vm1, v41, v4;
	vm0 =	vnez.u8 v10  }
0xb0: {  	v11 =	vimm.s32 $0x0;
	v4 =	vsel vm0, v42, v4;
	vm0 =	vlt.f32 v8, v5  }
0xb1: {  	v11 =	vsel vm0, $0xFFFFFFFF, v11  }
0xb2: {  	[tilespmem:$0x1FDD0] =	vst v11;
	v11 =	vld [tilespmem:$0x1FC30];
	_ =	sdelay $0x2  }
0xb3: {  	v14 =	vld [tilespmem:s14+$0xF0];
	_ =	sdelay $0x1  }
0xb4: {  	vm1 =	vnez.u8 v11;
	v11 =	vld [tilespmem:$0x1FC40]  }
0xb5: {  	v7 =	vld [tilespmem:s12+$0xFFFFFE90];
	_ =	sdelay $0x1  }
0xb6: {  	vm14 =	vlt.f32 v14, v3  }
0xb7: {  	v3 =	vsel vm14, v14, v3  }
0xb8: {  	v5 =	vsel vm0, v8, v5;
	v4 =	vsel vm1, v43, v4;
	vm0 =	vnez.u8 v11  }
0xb9: {  	v14 =	vimm.s32 $0x0;
	v4 =	vsel vm0, v44, v4;
	vm0 =	vlt.f32 v7, v5  }
0xba: {  	v14 =	vsel vm0, $0xFFFFFFFF, v14  }
0xbb: {  	[tilespmem:$0x1FDF0] =	vst v14;
	v14 =	vld [tilespmem:$0x1FC50];
	_ =	sdelay $0x3  }
0xbc: {  	v9 =	vld [tilespmem:s14+$0x100]  }
0xbd: {  	vm1 =	vnez.u8 v14;
	v14 =	vld [tilespmem:$0x1FC60]  }
0xbe: {  	v6 =	vld [tilespmem:s12+$0xFFFFFEA0];
	_ =	sdelay $0x2  }
0xbf: {  	v4 =	vsel vm1, v45, v4;
	vm1 =	vlt.f32 v9, v3  }
0xc0: {  	v5 =	vsel vm0, v7, v5;
	v3 =	vsel vm1, v9, v3;
	vm0 =	vnez.u8 v14  }
0xc1: {  	v9 =	vimm.s32 $0x0;
	v4 =	vsel vm0, v46, v4;
	vm0 =	vlt.f32 v6, v5  }
0xc2: {  	v10 =	vld [tilespmem:s14+$0x110];
	v9 =	vsel vm0, $0xFFFFFFFF, v9  }
0xc3: {  	[tilespmem:$0x1FC70] =	vst v9;
	v9 =	vld [tilespmem:$0x1FC80]  }
0xc4: {  	v8 =	vld [tilespmem:s12+$0xFFFFFEB0];
	_ =	sdelay $0x2  }
0xc5: {  	v4 =	vsel vm6, v47, v4;
	vm6 =	vlt.f32 v10, v3  }
0xc6: {  	v5 =	vsel vm0, v6, v5;
	v3 =	vsel vm6, v10, v3;
	vm0 =	vnez.u8 v9  }
0xc7: {  	v10 =	vimm.s32 $0x0;
	v4 =	vsel vm0, v48, v4;
	vm0 =	vlt.f32 v8, v5  }
0xc8: {  	[tilespmem:$0x1FCA0] =	vst v0;
	v10 =	vsel vm0, $0xFFFFFFFF, v10  }
0xc9: {  	[tilespmem:$0x1FC90] =	vst v10;
	v10 =	vld [tilespmem:$0x1FCA0];
	_ =	sdelay $0x4  }
0xca: {  	v4 =	vsel vm15, v49, v4;
	v5 =	vsel vm0, v8, v5;
	vm0 =	vnez.u8 v10  }
0xcb: {  	v4 =	vsel vm0, v50, v4  }
0xcc: {  	v4 =	vsel vm8, v51, v4  }
0xcd: {  	v4 =	vsel vm12, v52, v4  }
0xce: {  	v4 =	vsel vm3, v53, v4  }
0xcf: {  	v4 =	vsel vm7, v54, v4  }
0xd0: {  	v4 =	vsel vm2, v55, v4  }
0xd1: {  	v4 =	vsel vm5, v56, v4  }
0xd2: {  	v0 =	vmovc v13;
	v13 =	vmovc v35;
	v35 =	vmov v36;
	v36 =	vmov v1;
	v1 =	vld [tilespmem:$0x1FE10];
	v4 =	vsel vm4, v57, v4  }
0xd3: {  	v4 =	vsel vm9, v16, v4  }
0xd4: {  	v4 =	vsel vm10, v60, v4  }
0xd5: {  	v4 =	vsel vm14, v18, v4  }
0xd6: {  	v11 =	vld [tilespmem:s14+$0x120];
	v4 =	vsel vm1, v19, v4  }
0xd7: {  	v4 =	vsel vm6, v1, v4;
	v1 =	vld [tilespmem:$0x1FE20];
	_ =	sdelay $0x3  }
0xd8: {  	v14 =	vld [tilespmem:s14+$0x130];
	vm15 =	vlt.f32 v11, v3  }
0xd9: {  	v4 =	vsel vm15, v1, v4;
	v1 =	vld [tilespmem:$0x1FE30];
	_ =	sdelay $0x2  }
0xda: {  	v3 =	vsel vm15, v11, v3  }
0xdb: {  	v9 =	vld [tilespmem:s14+$0x140];
	vm8 =	vlt.f32 v14, v3  }
0xdc: {  	v4 =	vsel vm8, v1, v4;
	v1 =	vld [tilespmem:$0x1FE40]  }
0xdd: {  	v7 =	vld [tilespmem:s12+$0xFFFFFEC0]  }
0xde: {  	v6 =	vld [tilespmem:s12+$0xFFFFFED0]  }
0xdf: {  	v8 =	vld [tilespmem:s12+$0xFFFFFEE0];
	v3 =	vsel vm8, v14, v3  }
0xe0: {  	v10 =	vld [tilespmem:s14+$0x150];
	vm3 =	vlt.f32 v9, v3  }
0xe1: {  	v4 =	vsel vm3, v1, v4;
	v1 =	vld [tilespmem:$0x1FE50]  }
0xe2: {  	v11 =	vimm.s32 $0x0;
	vm0 =	vlt.f32 v7, v5  }
0xe3: {  	v11 =	vsel vm0, $0xFFFFFFFF, v11;
	v5 =	vsel vm0, v7, v5;
	v7 =	vld [tilespmem:s12+$0xFFFFFEF0]  }
0xe4: {  	[tilespmem:$0x1FCB0] =	vst v11;
	v11 =	vld [tilespmem:s14+$0x160];
	vm0 =	vlt.f32 v6, v5;
	v3 =	vsel vm3, v9, v3  }
0xe5: {  	v5 =	vsel vm0, v6, v5;
	v6 =	vld [tilespmem:s12+$0xFFFFFF00];
	vm2 =	vlt.f32 v10, v3  }
0xe6: {  	vm7 =	vlt.f32 v8, v5;
	v4 =	vsel vm2, v1, v4;
	v1 =	vld [tilespmem:$0x1FE60]  }
0xe7: {  	v14 =	vimm.s32 $0x0;
	v5 =	vsel vm7, v8, v5;
	v8 =	vld [tilespmem:s12+$0xFFFFFF10]  }
0xe8: {  	v14 =	vsel vm0, $0xFFFFFFFF, v14;
	v3 =	vsel vm2, v10, v3;
	vm0 =	vlt.f32 v7, v5  }
0xe9: {  	v5 =	vsel vm0, v7, v5;
	v7 =	vld [tilespmem:s12+$0xFFFFFF20];
	vm4 =	vlt.f32 v11, v3  }
0xea: {  	[tilespmem:$0x1FCC0] =	vst v14;
	v14 =	vld [tilespmem:s14+$0x170];
	vm9 =	vmmov vm0;
	v3 =	vsel vm4, v11, v3;
	vm0 =	vlt.f32 v6, v5  }
0xeb: {  	v11 =	vimm.s32 $0x0;
	v5 =	vsel vm0, v6, v5;
	v4 =	vsel vm4, v1, v4;
	v1 =	vld [tilespmem:$0x1FE70]  }
0xec: {  	v11 =	vsel vm0, $0xFFFFFFFF, v11;
	v6 =	vld [tilespmem:s12+$0xFFFFFF30];
	vm0 =	vlt.f32 v8, v5  }
0xed: {  	v9 =	vld [tilespmem:s14+$0x180];
	v5 =	vsel vm0, v8, v5  }
0xee: {  	v8 =	vld [tilespmem:s12+$0xFFFFFF40];
	vm6 =	vlt.f32 v7, v5  }
0xef: {  	vm5 =	vlt.f32 v14, v3;
	v5 =	vsel vm6, v7, v5;
	v7 =	vld [tilespmem:s12+$0xFFFFFF50]  }
0xf0: {  	v4 =	vsel vm5, v1, v4;
	v1 =	vld [tilespmem:$0x1FE80]  }
0xf1: {  	vm14 =	vlt.f32 v6, v5  }
0xf2: {  	v5 =	vsel vm14, v6, v5  }
0xf3: {  	v3 =	vsel vm5, v14, v3;
	vm15 =	vlt.f32 v8, v5  }
0xf4: {  	vm1 =	vlt.f32 v9, v3;
	v5 =	vsel vm15, v8, v5  }
0xf5: {  	vm4 =	vlt.f32 v7, v5;
	v4 =	vsel vm1, v1, v4;
	v1 =	vimm.s32 $0x0  }
0xf6: {  	v10 =	vld [tilespmem:s14+$0x190];
	v1 =	vsel vm4, $0xFFFFFFFF, v1  }
0xf7: {  	[tilespmem:$0x1FCF0] =	vst v1;
	v1 =	vld [tilespmem:$0x1FE90];
	_ =	sdelay $0x2  }
0xf8: {  	[tilespmem:$0x1FCD0] =	vst v11;
	v11 =	vld [tilespmem:s14+$0x1A0];
	v14 =	vimm.s32 $0x0;
	v3 =	vsel vm1, v9, v3  }
0xf9: {  	v14 =	vsel vm0, $0xFFFFFFFF, v14;
	v9 =	vld [tilespmem:s12+$0xFFFFFF60];
	vm0 =	vlt.f32 v10, v3  }
0xfa: {  	v4 =	vsel vm0, v1, v4;
	v1 =	vld [tilespmem:$0x1FEA0];
	_ =	sdelay $0x2  }
0xfb: {  	[tilespmem:$0x1FCE0] =	vst v14;
	v14 =	vld [tilespmem:s14+$0x1B0];
	v3 =	vsel vm0, v10, v3  }
0xfc: {  	vm3 =	vlt.f32 v11, v3;
	v5 =	vsel vm4, v7, v5  }
0xfd: {  	v12 =	vmovc v21;
	v21 =	vld [tilespmem:s14+$0x1C0];
	vm0 =	vlt.f32 v9, v5;
	v4 =	vsel vm3, v1, v4;
	v1 =	vimm.s32 $0x0  }
0xfe: {  	v10 =	vld [tilespmem:s14+$0x1D0];
	v1 =	vsel vm0, $0xFFFFFFFF, v1  }
0xff: {  	v3 =	vsel vm3, v11, v3;
	[tilespmem:$0x1FD00] =	vst v1;
	v1 =	vld [tilespmem:$0x1FEB0]  }
0x100: {  	vm2 =	vlt.f32 v14, v3  }
0x101: {  	v11 =	vld [tilespmem:s14+$0x1E0];
	v3 =	vsel vm2, v14, v3  }
0x102: {  	v8 =	vld [tilespmem:s12+$0xFFFFFF70];
	vm1 =	vlt.f32 v21, v3  }
0x103: {  	v6 =	vld [tilespmem:s14+$0x1E8];
	v3 =	vsel vm1, v21, v3  }
0x104: {  	v5 =	vsel vm0, v9, v5;
	vm0 =	vlt.f32 v10, v3;
	v4 =	vsel vm2, v1, v4;
	v1 =	vld [tilespmem:$0x1FD10]  }
0x105: {  	v7 =	vld [tilespmem:s12+$0xFFFFFF80];
	v3 =	vsel vm0, v10, v3  }
0x106: {  	v4 =	vsel vm1, v17, v4;
	vm1 =	vlt.f32 v11, v3  }
0x107: {  	v9 =	vld [tilespmem:s12+$0xFFFFFF90];
	vm5 =	vlt.f32 v8, v5;
	v4 =	vsel vm0, v26, v4;
	v3 =	vsel vm1, v11, v3  }
0x108: {  	v5 =	vsel vm5, v8, v5;
	v4 =	vsel vm1, v27, v4;
	vm0 =	vlt.f32 v6, v3  }
0x109: {  	v3 =	vsel vm0, v6, v3;
	v4 =	vsel vm0, v2, v4;
	vm0 =	vnez.u8 v1;
	v1 =	vld [tilespmem:$0x1FD20]  }
0x10a: {  	v8 =	vld [tilespmem:s12+$0xFFFFFFA0];
	vm11 =	vlt.f32 v7, v5  }
0x10b: {  	v5 =	vsel vm11, v7, v5  }
0x10c: {  	v7 =	vld [tilespmem:s12+$0xFFFFFFB0];
	vm10 =	vlt.f32 v9, v5  }
0x10d: {  	v5 =	vsel vm10, v9, v5;
	v6 =	vld [tilespmem:s12+$0xFFFFFFC0];
	v9 =	vperm.xlane v3, v61;
	v10 =	vperm.xlane v4, v61  }
0x10e: {  	v11 =	vsel vm0, v58, v1;
	v1 =	vld [tilespmem:$0x1FD30]  }
0x10f: {  	vm8 =	vlt.f32 v8, v5;
	vm1 =	vlt.s32 v10, v4;
	vm0 =	veq.f32 v9, v3  }
0x110: {  	v5 =	vsel vm8, v8, v5;
	vm0 =	vmand vm0, vm1;
	vm1 =	vlt.f32 v9, v3  }
0x111: {  	vm12 =	vlt.f32 v7, v5;
	vm0 =	vmor vm1, vm0  }
0x112: {  	v5 =	vsel vm12, v7, v5;
	v3 =	vsel vm0, v9, v3;
	v4 =	vsel vm0, v10, v4  }
0x113: {  	vm0 =	vlt.f32 v6, v5;
	vm2 =	vnez.u8 v1;
	v1 =	vimm.s32 $0x0  }
0x114: {  	v1 =	vsel vm0, $0xFFFFFFFF, v1  }
0x115: {  	[tilespmem:$0x1FD40] =	vst v1;
	v1 =	vld [tilespmem:$0x1FD50]  }
0x116: {  	v8 =	vld [tilespmem:s12+$0xFFFFFFD0];
	_ =	sdelay $0x3  }
0x117: {  	v5 =	vsel vm0, v6, v5;
	v11 =	vsel vm2, v30, v11;
	vm0 =	vnez.u8 v1  }
0x118: {  	v1 =	vimm.s32 $0x0;
	v11 =	vsel vm0, v31, v11;
	vm0 =	vlt.f32 v8, v5  }
0x119: {  	v7 =	vld [tilespmem:s12+$0xFFFFFFE0];
	v1 =	vsel vm0, $0xFFFFFFFF, v1  }
0x11a: {  	[tilespmem:$0x1FD60] =	vst v1;
	v1 =	vld [tilespmem:$0x1FD70]  }
0x11b: {  	v9 =	vperm.xlane v3, v62;
	v10 =	vperm.xlane v4, v62  }
0x11c: {  	v6 =	vld [tilespmem:s12+$0xFFFFFFF0]  }
0x11d: {  	vm1 =	vlt.s32 v10, v4;
	v5 =	vsel vm0, v8, v5;
	vm0 =	veq.f32 v9, v3  }
0x11e: {  	vm0 =	vmand vm0, vm1;
	vm2 =	vlt.f32 v7, v5;
	vm1 =	vlt.f32 v9, v3  }
0x11f: {  	vm0 =	vmor vm1, vm0;
	vm3 =	vnez.u8 v1;
	v1 =	vimm.s32 $0x0  }
0x120: {  	v8 =	vld [tilespmem:s12+$0x0];
	v5 =	vsel vm2, v7, v5;
	v3 =	vsel vm0, v9, v3;
	v1 =	vsel vm2, $0xFFFFFFFF, v1  }
0x121: {  	v4 =	vsel vm0, v10, v4;
	vm0 =	vlt.f32 v6, v5;
	[tilespmem:$0x1FD80] =	vst v1;
	v1 =	vimm.s32 $0x0  }
0x122: {  	v7 =	vld [tilespmem:s12+$0x10];
	v1 =	vsel vm0, $0xFFFFFFFF, v1  }
0x123: {  	v5 =	vsel vm0, v6, v5;
	[tilespmem:$0x1FD90] =	vst v1;
	v1 =	vld [tilespmem:$0x1FDA0]  }
0x124: {  	v9 =	vperm.xlane v3, v63;
	v10 =	vperm.xlane v4, v63;
	v11 =	vsel vm3, v32, v11  }
0x125: {  	v6 =	vld [tilespmem:s12+$0x20];
	v11 =	vsel vm13, v20, v11;
	vm13 =	vlt.f32 v8, v5  }
0x126: {  	vm1 =	vlt.s32 v10, v4;
	v5 =	vsel vm13, v8, v5;
	vm0 =	veq.f32 v9, v3  }
0x127: {  	vm0 =	vmand vm0, vm1;
	vm2 =	vlt.f32 v7, v5;
	vm1 =	vlt.f32 v9, v3  }
0x128: {  	vm0 =	vmor vm1, vm0;
	vm3 =	vnez.u8 v1;
	v1 =	vimm.s32 $0x0  }
0x129: {  	v5 =	vsel vm2, v7, v5;
	v4 =	vsel vm0, v10, v4;
	v1 =	vsel vm2, $0xFFFFFFFF, v1  }
0x12a: {  	[tilespmem:$0x1FDB0] =	vst v1;
	v1 =	vsel vm0, v9, v3;
	vm0 =	vlt.f32 v6, v5;
	v3 =	vimm.s32 $0x0  }
0x12b: {  	v3 =	vsel vm0, $0xFFFFFFFF, v3  }
0x12c: {  	[tilespmem:$0x1FDC0] =	vst v3;
	v3 =	vsel vm0, v6, v5;
	v6 =	vld [tilespmem:$0x1FDD0]  }
0x12d: {  	v8 =	vld [tilespmem:s12+$0x30];
	_ =	sdelay $0x3  }
0x12e: {  	v11 =	vsel vm3, v34, v11;
	vm0 =	vnez.u8 v6  }
0x12f: {  	v6 =	vsel vm0, v24, v11;
	vm0 =	vlt.f32 v8, v3  }
0x130: {  	v9 =	vsel vm0, v8, v3;
	v3 =	vld [tilespmem:$0x1FDF0]  }
0x131: {  	v2 =	vld [tilespmem:s12+$0x40]  }
0x132: {  	v14 =	vmov v19;
	v5 =	vperm.xlane v4, v59  }
0x133: {  	s15 =	simm.s32 $0x9C0;
	v19 =	vmovc v18;
	v18 =	vmovc v60;
	v60 =	vmov v27;
	v27 =	vmov s13;
	v21 =	vperm.xlane v1, v59  }
0x134: {  	v7 =	vimm.s32 $0x0;
	v10 =	vld [tilespmem:s15+$0xFFFFFE10];
	vm3 =	veq.s32 v27, v15;
	vm1 =	vlt.s32 v5, v4  }
0x135: {  	v7 =	vsel vm0, $0xFFFFFFFF, v7;
	vm0 =	veq.f32 v21, v1;
	vm2 =	vnez.u8 v3  }
0x136: {  	v27 =	vmovc v13;
	v13 =	vmovc v25;
	v11 =	vsel vm2, v29, v6;
	vm2 =	vmand vm0, vm1;
	vm0 =	vlt.f32 v2, v9  }
0x137: {  	v25 =	vmovc v34;
	vm4 =	vlt.f32 v21, v1;
	v1 =	vmovc v22;
	v9 =	vsel vm0, v2, v9;
	v2 =	vmov v23  }
0x138: {  	v34 =	vmovc v13;
	v8 =	vld [tilespmem:s12+$0x50];
	v21 =	vmovc v30;
	v22 =	vmov v31;
	v30 =	vmov v1;
	v6 =	vimm.s32 $0x0  }
0x139: {  	[tilespmem:$0x1FDE0] =	vst v7;
	v7 =	vld [tilespmem:s12+$0x60];
	v3 =	vimm.s32 $0x0;
	vm1 =	vlt.f32 v10, $3.399999950e+38;
	v6 =	vsel vm0, $0xFFFFFFFF, v6;
	v23 =	vmovc v32;
	v32 =	vmovc v12  }
0x13a: {  	s16 =	simm.s32 $0x3;
	s14 =	simm.s32 $0x1;
	s13 =	simm.s32 $0x2;
	[tilespmem:$0x1FE00] =	vst v6;
	v6 =	vld [tilespmem:s12+$0x70];
	v31 =	vmovc v2;
	v2 =	vmovc v60;
	v60 =	vmov v18;
	v18 =	vmov v19;
	v19 =	vmov v14  }
.LBB2_3:
0x13b: {  	v1 =	vimm.s32 $0x0  }
0x13c: {  	v1 =	vsel vm13, $0xFFFFFFFF, v1  }
0x13d: {  	[tilespmem:$0x1FAC0] =	vst v1;
	v1 =	vld [tilespmem:$0x1FC70];
	_ =	sdelay $0x3  }
0x13e: {  	v13 =	vld [tilespmem:$0x1FC90]  }
0x13f: {  	vm0 =	vnez.u8 v1;
	v1 =	vld [tilespmem:$0x1FF00];
	_ =	sdelay $0x2  }
0x140: {  	v11 =	vsel vm0, v28, v11;
	vm0 =	vmor vm4, vm2  }
0x141: {  	vm2 =	vnez.u8 v13;
	v4 =	vsel vm0, v5, v4;
	v5 =	vld [tilespmem:$0x1FCB0]  }
0x142: {  	v11 =	vsel vm2, v1, v11;
	v1 =	vld [tilespmem:$0x1FED0];
	_ =	sdelay $0x3  }
0x143: {  	v14 =	vld [tilespmem:$0x1FCC0];
	vm0 =	vnez.u8 v5  }
0x144: {  	v5 =	vsel vm0, v1, v11;
	v1 =	vld [tilespmem:$0x1FEE0];
	_ =	sdelay $0x3  }
0x145: {  	vm0 =	vnez.u8 v14  }
0x146: {  	v5 =	vsel vm0, v1, v5;
	v1 =	vld [tilespmem:$0x1FEF0];
	_ =	sdelay $0x3  }
0x147: {  	v5 =	vsel vm7, v0, v5  }
0x148: {  	v5 =	vsel vm9, v1, v5;
	v1 =	vld [tilespmem:$0x1FCD0];
	_ =	sdelay $0x1  }
0x149: {  	vm13 =	vmmov vm12  }
0x14a: {  	v12 =	vld [tilespmem:s15+$0xFFFFFE20];
	vm12 =	vmmov vm8;
	vm8 =	vmmov vm10;
	vm10 =	vmmov vm11  }
0x14b: {  	vm11 =	vmmov vm5;
	vm5 =	vmmov vm14;
	vm14 =	vlt.f32 v8, v9  }
0x14c: {  	v8 =	vsel vm14, v8, v9;
	v3 =	vsel vm3, v4, v3;
	vm3 =	vnez.u8 v1;
	v1 =	vld [tilespmem:$0x1FCE0]  }
0x14d: {  	v13 =	vld [tilespmem:s15+$0xFFFFFE30];
	vm2 =	vmmov vm15;
	vm15 =	vlt.f32 v7, v8  }
0x14e: {  	v7 =	vsel vm15, v7, v8;
	v8 =	vnsel vm1, $0x7F7FC99E, v10  }
0x14f: {  	v4 =	vnsel vm1, $0x0, v15;
	v14 =	vld [tilespmem:s15+$0xFFFFFE40];
	vm0 =	vlt.f32 v12, v8  }
0x150: {  	v4 =	vsel vm0, v58, v4  }
0x151: {  	v8 =	vsel vm0, v12, v8;
	v5 =	vsel vm3, v27, v5;
	vm0 =	vnez.u8 v1  }
0x152: {  	v1 =	vimm.s32 $0x0;
	v5 =	vsel vm0, v30, v5;
	vm0 =	vlt.f32 v13, v8  }
0x153: {  	v1 =	vsel vm0, $0xFFFFFFFF, v1;
	v8 =	vsel vm0, v13, v8  }
0x154: {  	[tilespmem:$0x1FAD0] =	vst v1;
	vm3 =	vlt.f32 v14, v8;
	v1 =	vimm.s32 $0x0  }
0x155: {  	v12 =	vld [tilespmem:s15+$0xFFFFFE50];
	v1 =	vsel vm3, $0xFFFFFFFF, v1  }
0x156: {  	[tilespmem:$0x1FAE0] =	vst v1;
	v1 =	vld [tilespmem:$0x1FCF0];
	_ =	sdelay $0x1  }
0x157: {  	v5 =	vsel vm6, v31, v5  }
0x158: {  	v5 =	vsel vm5, v32, v5  }
0x159: {  	v5 =	vsel vm2, v33, v5;
	v8 =	vsel vm3, v14, v8  }
0x15a: {  	vm3 =	vlt.f32 v12, v8;
	vm2 =	vnez.u8 v1;
	v1 =	vimm.s32 $0x0  }
0x15b: {  	v13 =	vld [tilespmem:s15+$0xFFFFFE60];
	v1 =	vsel vm3, $0xFFFFFFFF, v1  }
0x15c: {  	[tilespmem:$0x1FAF0] =	vst v1;
	v1 =	vld [tilespmem:$0x1FD00];
	_ =	sdelay $0x1  }
0x15d: {  	v14 =	vld [tilespmem:s15+$0xFFFFFE70]  }
0x15e: {  	v8 =	vsel vm3, v12, v8  }
0x15f: {  	v12 =	vld [tilespmem:s15+$0xFFFFFE80];
	vm4 =	vlt.f32 v13, v8  }
0x160: {  	v5 =	vsel vm2, v34, v5;
	vm2 =	vnez.u8 v1;
	v1 =	vimm.s32 $0x0  }
0x161: {  	v8 =	vsel vm4, v13, v8;
	v1 =	vsel vm4, $0xFFFFFFFF, v1  }
0x162: {  	vm5 =	vlt.f32 v14, v8;
	[tilespmem:$0x1FB00] =	vst v1;
	v1 =	vimm.s32 $0x0  }
0x163: {  	v8 =	vsel vm5, v14, v8;
	v1 =	vsel vm5, $0xFFFFFFFF, v1  }
0x164: {  	vm6 =	vlt.f32 v12, v8;
	[tilespmem:$0x1FB10] =	vst v1;
	v1 =	vimm.s32 $0x0  }
0x165: {  	v1 =	vsel vm6, $0xFFFFFFFF, v1  }
0x166: {  	[tilespmem:$0x1FB20] =	vst v1;
	v1 =	vld [tilespmem:$0x1FD40];
	_ =	sdelay $0x3  }
0x167: {  	v13 =	vld [tilespmem:s15+$0xFFFFFE90]  }
0x168: {  	vm5 =	vnez.u8 v1;
	v1 =	vld [tilespmem:$0x1FD60]  }
0x169: {  	v5 =	vsel vm2, v35, v5  }
0x16a: {  	v5 =	vsel vm11, v36, v5  }
0x16b: {  	v5 =	vsel vm10, v37, v5  }
0x16c: {  	v8 =	vsel vm6, v12, v8;
	v5 =	vsel vm8, v38, v5  }
0x16d: {  	vm8 =	vlt.f32 v13, v8;
	vm6 =	vnez.u8 v1;
	v1 =	vimm.s32 $0x0  }
0x16e: {  	v1 =	vsel vm8, $0xFFFFFFFF, v1  }
0x16f: {  	[tilespmem:$0x1FB30] =	vst v1;
	v1 =	vld [tilespmem:$0x1FD80];
	_ =	sdelay $0x1  }
0x170: {  	v5 =	vsel vm12, v39, v5  }
0x171: {  	v5 =	vsel vm13, v40, v5  }
0x172: {  	v5 =	vsel vm5, v41, v5  }
0x173: {  	v5 =	vsel vm6, v42, v5;
	vm6 =	vnez.u8 v1;
	v1 =	vld [tilespmem:$0x1FD90];
	_ =	sdelay $0x3  }
0x174: {  	v14 =	vld [tilespmem:s15+$0xFFFFFEA0]  }
0x175: {  	v8 =	vsel vm8, v13, v8;
	vm8 =	vnez.u8 v1;
	v1 =	vld [tilespmem:$0x1FAC0];
	_ =	sdelay $0x3  }
0x176: {  	vm10 =	vlt.f32 v14, v8;
	v5 =	vsel vm6, v43, v5  }
0x177: {  	v5 =	vsel vm8, v44, v5;
	vm8 =	vnez.u8 v1;
	v1 =	vimm.s32 $0x0  }
0x178: {  	v1 =	vsel vm10, $0xFFFFFFFF, v1  }
0x179: {  	[tilespmem:$0x1FC70] =	vst v1;
	v1 =	vld [tilespmem:$0x1FDB0];
	_ =	sdelay $0x3  }
0x17a: {  	v12 =	vld [tilespmem:s15+$0xFFFFFEB0]  }
0x17b: {  	v8 =	vsel vm10, v14, v8;
	vm10 =	vnez.u8 v1;
	v1 =	vld [tilespmem:$0x1FDC0];
	_ =	sdelay $0x3  }
0x17c: {  	v9 =	vld [tilespmem:s12+$0x80];
	vm11 =	vlt.f32 v12, v8;
	v5 =	vsel vm8, v45, v5  }
0x17d: {  	v5 =	vsel vm10, v46, v5;
	vm10 =	vnez.u8 v1;
	v1 =	vimm.s32 $0x0  }
0x17e: {  	v11 =	vld [tilespmem:s12+$0x90];
	v1 =	vsel vm11, $0xFFFFFFFF, v1  }
0x17f: {  	vm1 =	vlt.f32 v6, v7;
	[tilespmem:$0x1FC90] =	vst v1;
	v1 =	vld [tilespmem:$0x1FDE0]  }
0x180: {  	v10 =	vld [tilespmem:s12+$0xA0];
	v6 =	vsel vm1, v6, v7  }
0x181: {  	vm7 =	vlt.f32 v9, v6  }
0x182: {  	v7 =	vld [tilespmem:s12+$0xB0];
	v6 =	vsel vm7, v9, v6  }
0x183: {  	vm9 =	vlt.f32 v11, v6;
	v13 =	vld [tilespmem:s15+$0xFFFFFEC0]  }
0x184: {  	v6 =	vsel vm9, v11, v6;
	v8 =	vsel vm11, v12, v8;
	vm11 =	vnez.u8 v1;
	v1 =	vld [tilespmem:$0x1FE00]  }
0x185: {  	v9 =	vld [tilespmem:s12+$0xC0];
	vm0 =	vlt.f32 v10, v6  }
0x186: {  	v6 =	vsel vm0, v10, v6;
	v14 =	vld [tilespmem:s15+$0xFFFFFED0]  }
0x187: {  	v11 =	vld [tilespmem:s12+$0xD0];
	vm2 =	vlt.f32 v7, v6  }
0x188: {  	v6 =	vsel vm2, v7, v6;
	v12 =	vld [tilespmem:s15+$0xFFFFFEE0];
	v5 =	vsel vm10, v47, v5  }
0x189: {  	vm12 =	vlt.f32 v13, v8;
	v5 =	vsel vm11, v48, v5;
	vm11 =	vnez.u8 v1  }
0x18a: {  	v10 =	vld [tilespmem:s12+$0xE0];
	vm3 =	vlt.f32 v9, v6;
	v8 =	vsel vm12, v13, v8;
	v5 =	vsel vm11, v49, v5  }
0x18b: {  	v6 =	vsel vm3, v9, v6;
	v13 =	vld [tilespmem:s15+$0xFFFFFEF0];
	vm13 =	vlt.f32 v14, v8;
	v5 =	vsel vm14, v50, v5  }
0x18c: {  	vm4 =	vlt.f32 v11, v6;
	v8 =	vsel vm13, v14, v8;
	v5 =	vsel vm15, v51, v5  }
0x18d: {  	v6 =	vsel vm4, v11, v6;
	v14 =	vld [tilespmem:s15+$0xFFFFFF00];
	v5 =	vsel vm1, v52, v5;
	vm1 =	vlt.f32 v12, v8  }
0x18e: {  	v1 =	vimm.s32 $0x0;
	v5 =	vsel vm7, v53, v5;
	vm7 =	vmmov vm1  }
0x18f: {  	vm5 =	vlt.f32 v10, v6;
	v1 =	vsel vm12, $0xFFFFFFFF, v1;
	v8 =	vsel vm7, v12, v8;
	v12 =	vld [tilespmem:s15+$0xFFFFFF10]  }
0x190: {  	[tilespmem:$0x1FCB0] =	vst v1;
	v1 =	vimm.s32 $0x0;
	v5 =	vsel vm9, v54, v5;
	vm9 =	vlt.f32 v13, v8  }
0x191: {  	v7 =	vld [tilespmem:s12+$0xF0];
	v1 =	vsel vm13, $0xFFFFFFFF, v1;
	v5 =	vsel vm0, v55, v5;
	v8 =	vsel vm9, v13, v8  }
0x192: {  	[tilespmem:$0x1FCC0] =	vst v1;
	v1 =	vimm.s32 $0x0;
	v5 =	vsel vm2, v56, v5;
	vm13 =	vlt.f32 v14, v8  }
0x193: {  	v9 =	vld [tilespmem:s12+$0x100];
	v5 =	vsel vm3, v57, v5;
	v1 =	vsel vm13, $0xFFFFFFFF, v1;
	v8 =	vsel vm13, v14, v8  }
0x194: {  	v5 =	vsel vm4, v16, v5;
	[tilespmem:$0x1FCD0] =	vst v1;
	vm4 =	vlt.f32 v12, v8;
	v1 =	vimm.s32 $0x0  }
0x195: {  	v11 =	vld [tilespmem:s12+$0x110];
	v6 =	vsel vm5, v10, v6;
	v1 =	vsel vm4, $0xFFFFFFFF, v1  }
0x196: {  	vm6 =	vlt.f32 v7, v6;
	[tilespmem:$0x1FCE0] =	vst v1;
	v1 =	vld [tilespmem:$0x1FE10]  }
0x197: {  	v6 =	vsel vm6, v7, v6  }
0x198: {  	vm8 =	vlt.f32 v9, v6;
	v5 =	vsel vm5, v60, v5  }
0x199: {  	v6 =	vsel vm8, v9, v6;
	v5 =	vsel vm6, v18, v5  }
0x19a: {  	v10 =	vld [tilespmem:s12+$0x120];
	vm10 =	vlt.f32 v11, v6;
	v5 =	vsel vm8, v19, v5  }
0x19b: {  	v5 =	vsel vm10, v1, v5;
	v1 =	vld [tilespmem:$0x1FE20];
	_ =	sdelay $0x2  }
0x19c: {  	v6 =	vsel vm10, v11, v6  }
0x19d: {  	v7 =	vld [tilespmem:s12+$0x130];
	vm11 =	vlt.f32 v10, v6  }
0x19e: {  	v5 =	vsel vm11, v1, v5;
	v1 =	vld [tilespmem:$0x1FE30];
	_ =	sdelay $0x2  }
0x19f: {  	v6 =	vsel vm11, v10, v6  }
0x1a0: {  	v9 =	vld [tilespmem:s12+$0x140];
	vm12 =	vlt.f32 v7, v6  }
0x1a1: {  	v5 =	vsel vm12, v1, v5;
	v1 =	vld [tilespmem:$0x1FE40];
	_ =	sdelay $0x2  }
0x1a2: {  	v6 =	vsel vm12, v7, v6;
	v13 =	vld [tilespmem:s15+$0xFFFFFF20]  }
0x1a3: {  	v11 =	vld [tilespmem:s12+$0x150];
	vm1 =	vlt.f32 v9, v6  }
0x1a4: {  	v5 =	vsel vm1, v1, v5;
	v1 =	vld [tilespmem:$0x1FE50]  }
0x1a5: {  	v14 =	vld [tilespmem:s15+$0xFFFFFF30]  }
0x1a6: {  	v10 =	vld [tilespmem:s12+$0x160];
	v8 =	vsel vm4, v12, v8  }
0x1a7: {  	v6 =	vsel vm1, v9, v6;
	v12 =	vld [tilespmem:s15+$0xFFFFFF40];
	vm6 =	vlt.f32 v13, v8  }
0x1a8: {  	vm0 =	vlt.f32 v11, v6;
	v8 =	vsel vm6, v13, v8;
	v13 =	vld [tilespmem:s15+$0xFFFFFF50]  }
0x1a9: {  	v5 =	vsel vm0, v1, v5;
	v1 =	vld [tilespmem:$0x1FE60]  }
0x1aa: {  	vm14 =	vlt.f32 v14, v8  }
0x1ab: {  	v8 =	vsel vm14, v14, v8  }
0x1ac: {  	v6 =	vsel vm0, v11, v6;
	vm15 =	vlt.f32 v12, v8  }
0x1ad: {  	vm2 =	vlt.f32 v10, v6;
	v8 =	vsel vm15, v12, v8  }
0x1ae: {  	vm8 =	vlt.f32 v13, v8;
	v5 =	vsel vm2, v1, v5;
	v1 =	vimm.s32 $0x0  }
0x1af: {  	v7 =	vld [tilespmem:s12+$0x170];
	v1 =	vsel vm8, $0xFFFFFFFF, v1  }
0x1b0: {  	[tilespmem:$0x1FCF0] =	vst v1;
	v1 =	vld [tilespmem:$0x1FE70];
	_ =	sdelay $0x2  }
0x1b1: {  	v9 =	vld [tilespmem:s12+$0x180];
	v6 =	vsel vm2, v10, v6  }
0x1b2: {  	vm3 =	vlt.f32 v7, v6;
	v14 =	vld [tilespmem:s15+$0xFFFFFF60]  }
0x1b3: {  	v5 =	vsel vm3, v1, v5;
	v1 =	vld [tilespmem:$0x1FE80];
	_ =	sdelay $0x2  }
0x1b4: {  	v6 =	vsel vm3, v7, v6  }
0x1b5: {  	vm4 =	vlt.f32 v9, v6;
	v8 =	vsel vm8, v13, v8  }
0x1b6: {  	vm3 =	vlt.f32 v14, v8;
	v5 =	vsel vm4, v1, v5;
	v1 =	vimm.s32 $0x0  }
0x1b7: {  	v11 =	vld [tilespmem:s12+$0x190];
	v1 =	vsel vm3, $0xFFFFFFFF, v1  }
0x1b8: {  	[tilespmem:$0x1FD00] =	vst v1;
	v1 =	vld [tilespmem:$0x1FE90];
	_ =	sdelay $0x2  }
0x1b9: {  	v6 =	vsel vm4, v9, v6  }
0x1ba: {  	v10 =	vld [tilespmem:s12+$0x1A0];
	vm5 =	vlt.f32 v11, v6  }
0x1bb: {  	v5 =	vsel vm5, v1, v5;
	v1 =	vld [tilespmem:$0x1FEA0]  }
0x1bc: {  	v7 =	vld [tilespmem:s12+$0x1B0];
	_ =	sdelay $0x1  }
0x1bd: {  	v9 =	vld [tilespmem:s12+$0x1C0];
	v6 =	vsel vm5, v11, v6  }
0x1be: {  	v11 =	vld [tilespmem:s12+$0x1D0];
	vm1 =	vlt.f32 v10, v6  }
0x1bf: {  	v6 =	vsel vm1, v10, v6;
	v5 =	vsel vm1, v1, v5;
	v1 =	vld [tilespmem:$0x1FEB0]  }
0x1c0: {  	vm0 =	vlt.f32 v7, v6  }
0x1c1: {  	v10 =	vld [tilespmem:s12+$0x1E0];
	v6 =	vsel vm0, v7, v6  }
0x1c2: {  	v12 =	vld [tilespmem:s15+$0xFFFFFF70];
	vm2 =	vlt.f32 v9, v6  }
0x1c3: {  	v7 =	vld [tilespmem:s12+$0x1E8];
	v6 =	vsel vm2, v9, v6  }
0x1c4: {  	vm1 =	vlt.f32 v11, v6;
	v5 =	vsel vm0, v1, v5;
	v1 =	vld [tilespmem:$0x1FEC0]  }
0x1c5: {  	v6 =	vsel vm1, v11, v6  }
0x1c6: {  	v13 =	vld [tilespmem:s15+$0xFFFFFF80];
	vm0 =	vlt.f32 v10, v6;
	v5 =	vsel vm2, v17, v5  }
0x1c7: {  	v6 =	vsel vm0, v10, v6;
	v5 =	vsel vm1, v26, v5  }
0x1c8: {  	v8 =	vsel vm3, v14, v8;
	v14 =	vld [tilespmem:s15+$0xFFFFFF90];
	v5 =	vsel vm0, v2, v5;
	vm0 =	vlt.f32 v7, v6  }
0x1c9: {  	vm5 =	vlt.f32 v12, v8;
	v5 =	vsel vm0, v1, v5;
	v1 =	vld [tilespmem:$0x1FAD0]  }
0x1ca: {  	v9 =	vld [tilespmem:s15+$0xFFFFFFA0];
	v8 =	vsel vm5, v12, v8  }
0x1cb: {  	vm11 =	vlt.f32 v13, v8  }
0x1cc: {  	v8 =	vsel vm11, v13, v8;
	v11 =	vld [tilespmem:s15+$0xFFFFFFB0]  }
0x1cd: {  	vm10 =	vlt.f32 v14, v8  }
0x1ce: {  	v8 =	vsel vm10, v14, v8;
	v6 =	vsel vm0, v7, v6;
	vm0 =	vnez.u8 v1;
	v1 =	vld [tilespmem:$0x1FAE0]  }
0x1cf: {  	vm8 =	vlt.f32 v9, v8;
	v10 =	vld [tilespmem:s15+$0xFFFFFFC0]  }
0x1d0: {  	v8 =	vsel vm8, v9, v8;
	v7 =	vperm.xlane v6, v61;
	v12 =	vperm.xlane v5, v61  }
0x1d1: {  	vm12 =	vlt.f32 v11, v8  }
0x1d2: {  	vm1 =	vlt.s32 v12, v5;
	v4 =	vsel vm0, v21, v4;
	vm0 =	veq.f32 v7, v6  }
0x1d3: {  	v8 =	vsel vm12, v11, v8;
	vm0 =	vmand vm0, vm1;
	vm1 =	vnez.u8 v1  }
0x1d4: {  	v1 =	vimm.s32 $0x0;
	v4 =	vsel vm1, v22, v4;
	vm1 =	vlt.f32 v10, v8  }
0x1d5: {  	v9 =	vld [tilespmem:s15+$0xFFFFFFD0];
	v1 =	vsel vm1, $0xFFFFFFFF, v1  }
0x1d6: {  	[tilespmem:$0x1FD40] =	vst v1;
	v1 =	vld [tilespmem:$0x1FAF0];
	_ =	sdelay $0x1  }
0x1d7: {  	v11 =	vld [tilespmem:s15+$0xFFFFFFE0];
	vm2 =	vlt.f32 v7, v6  }
0x1d8: {  	vm0 =	vmor vm2, vm0  }
0x1d9: {  	v6 =	vsel vm0, v7, v6;
	v5 =	vsel vm0, v12, v5;
	v8 =	vsel vm1, v10, v8  }
0x1da: {  	vm0 =	vlt.f32 v9, v8;
	vm1 =	vnez.u8 v1;
	v1 =	vimm.s32 $0x0  }
0x1db: {  	v8 =	vsel vm0, v9, v8;
	v1 =	vsel vm0, $0xFFFFFFFF, v1  }
0x1dc: {  	vm2 =	vlt.f32 v11, v8;
	[tilespmem:$0x1FD60] =	vst v1;
	v1 =	vimm.s32 $0x0  }
0x1dd: {  	v1 =	vsel vm2, $0xFFFFFFFF, v1  }
0x1de: {  	[tilespmem:$0x1FD80] =	vst v1;
	v1 =	vld [tilespmem:$0x1FB00]  }
0x1df: {  	v10 =	vld [tilespmem:s15+$0xFFFFFFF0]  }
0x1e0: {  	v7 =	vperm.xlane v6, v62;
	v12 =	vperm.xlane v5, v62;
	_ =	sdelay $0x1  }
0x1e1: {  	v4 =	vsel vm1, v23, v4;
	vm0 =	veq.f32 v7, v6;
	vm1 =	vlt.s32 v12, v5  }
0x1e2: {  	v8 =	vsel vm2, v11, v8;
	vm0 =	vmand vm0, vm1;
	vm1 =	vnez.u8 v1  }
0x1e3: {  	v9 =	vld [tilespmem:s15+$0x0];
	v1 =	vimm.s32 $0x0;
	v4 =	vsel vm1, v20, v4;
	vm1 =	vlt.f32 v10, v8  }
0x1e4: {  	v11 =	vld [tilespmem:s15+$0x10];
	v1 =	vsel vm1, $0xFFFFFFFF, v1  }
0x1e5: {  	[tilespmem:$0x1FD90] =	vst v1;
	v1 =	vld [tilespmem:$0x1FB10];
	_ =	sdelay $0x1  }
0x1e6: {  	vm2 =	vlt.f32 v7, v6;
	v8 =	vsel vm1, v10, v8  }
0x1e7: {  	vm0 =	vmor vm2, vm0;
	vm13 =	vlt.f32 v9, v8  }
0x1e8: {  	v6 =	vsel vm0, v7, v6;
	v5 =	vsel vm0, v12, v5;
	v8 =	vsel vm13, v9, v8  }
0x1e9: {  	vm2 =	vlt.f32 v11, v8;
	vm0 =	vnez.u8 v1;
	v1 =	vimm.s32 $0x0  }
0x1ea: {  	v1 =	vsel vm2, $0xFFFFFFFF, v1  }
0x1eb: {  	[tilespmem:$0x1FDB0] =	vst v1;
	v1 =	vld [tilespmem:$0x1FB20]  }
0x1ec: {  	v14 =	vld [tilespmem:s15+$0x20]  }
0x1ed: {  	v13 =	vmov s14;
	v7 =	vperm.xlane v6, v63;
	v12 =	vperm.xlane v5, v63  }
0x1ee: {  	vm3 =	veq.s32 v13, v15  }
0x1ef: {  	vm1 =	vlt.s32 v12, v5;
	v4 =	vsel vm0, v25, v4;
	vm0 =	veq.f32 v7, v6  }
0x1f0: {  	s12 =	smov.u32 s15;
	v8 =	vsel vm2, v11, v8;
	vm0 =	vmand vm0, vm1;
	vm1 =	vnez.u8 v1  }
0x1f1: {  	v13 =	vld [tilespmem:s12+$0x40];
	v1 =	vimm.s32 $0x0;
	v11 =	vsel vm1, v24, v4;
	vm1 =	vlt.f32 v14, v8  }
0x1f2: {  	v9 =	vld [tilespmem:s12+$0x30];
	v1 =	vsel vm1, $0xFFFFFFFF, v1  }
0x1f3: {  	s15 =	sadd.s32 $0x3E8, s15;
	[tilespmem:$0x1FDC0] =	vst v1;
	v1 =	vld [tilespmem:$0x1FB30]  }
0x1f4: {  	v10 =	vld [tilespmem:s15+$0xFFFFFE10];
	vm2 =	vlt.f32 v7, v6  }
0x1f5: {  	vm0 =	vmor vm2, vm0  }
0x1f6: {  	v15 =	vsel vm0, v7, v6;
	v4 =	vsel vm0, v12, v5;
	v14 =	vsel vm1, v14, v8  }
0x1f7: {  	p0 =	sne.s32 s16, $0xF;
	v12 =	vperm.xlane v15, v59;
	v5 =	vperm.xlane v4, v59;
	vm0 =	vlt.f32 v9, v14  }
.Ltmp0:
0x1f8: {  	v6 =	vsel vm0, v9, v14;
	vm2 =	vnez.u8 v1;
	v1 =	vimm.s32 $0x0;
	(pc) =	sbr.rel @p0 .LBB2_3-.Ltmp0, $4  }
0x1f9: {  	vm1 =	vlt.f32 v10, $3.399999950e+38;
	vm4 =	vlt.f32 v13, v6;
	v1 =	vsel vm0, $0xFFFFFFFF, v1  }
0x1fa: {  	v7 =	vld [tilespmem:s12+$0x60];
	v9 =	vsel vm4, v13, v6;
	v11 =	vsel vm2, v29, v11;
	[tilespmem:$0x1FDE0] =	vst v1;
	v1 =	vimm.s32 $0x0  }
0x1fb: {  	v8 =	vld [tilespmem:s12+$0x50];
	vm0 =	veq.f32 v12, v15;
	vm2 =	vlt.s32 v5, v4;
	v1 =	vsel vm4, $0xFFFFFFFF, v1  }
0x1fc: {  	s14 =	smov.u32 s13;
	s13 =	smov.u32 s16;
	s16 =	sadd.s32 $0x1, s16;
	v6 =	vld [tilespmem:s12+$0x70];
	vm2 =	vmand vm0, vm2;
	vm4 =	vlt.f32 v12, v15;
	v15 =	vlaneseq.u32;
	[tilespmem:$0x1FE00] =	vst v1  }
0x1fd: {  	v12 =	vld [tilespmem:s15+$0xFFFFFE20];
	_ =	sdelay $0x1  }
0x1fe: {  	v13 =	vld [tilespmem:s15+$0xFFFFFE30];
	_ =	sdelay $0x1  }
0x1ff: {  	v10 =	vnsel vm1, $0x7F7FC99E, v10;
	v14 =	vld [tilespmem:s15+$0xFFFFFE40]  }
0x200: {  	v1 =	vimm.s32 $0x0;
	vm0 =	vlt.f32 v12, v10  }
0x201: {  	v1 =	vsel vm0, $0xFFFFFFFF, v1;
	v10 =	vsel vm0, v12, v10;
	v12 =	vld [tilespmem:s15+$0xFFFFFE50]  }
0x202: {  	[tilespmem:$0x1F880] =	vst v1;
	vm0 =	vlt.f32 v13, v10;
	v1 =	vimm.s32 $0x0  }
0x203: {  	v1 =	vsel vm0, $0xFFFFFFFF, v1;
	v10 =	vsel vm0, v13, v10;
	v13 =	vld [tilespmem:s15+$0xFFFFFE60]  }
0x204: {  	[tilespmem:$0x1F8A0] =	vst v1;
	vm0 =	vlt.f32 v14, v10;
	v1 =	vimm.s32 $0x0  }
0x205: {  	v1 =	vsel vm0, $0xFFFFFFFF, v1;
	v10 =	vsel vm0, v14, v10;
	v14 =	vld [tilespmem:s15+$0xFFFFFE70]  }
0x206: {  	[tilespmem:$0x1F8C0] =	vst v1;
	vm0 =	vlt.f32 v12, v10;
	v1 =	vimm.s32 $0x0  }
0x207: {  	v1 =	vsel vm0, $0xFFFFFFFF, v1;
	v10 =	vsel vm0, v12, v10;
	v12 =	vld [tilespmem:s15+$0xFFFFFE80]  }
0x208: {  	[tilespmem:$0x1F8D0] =	vst v1;
	vm0 =	vlt.f32 v13, v10;
	v1 =	vimm.s32 $0x0  }
0x209: {  	v1 =	vsel vm0, $0xFFFFFFFF, v1;
	v10 =	vsel vm0, v13, v10;
	v13 =	vld [tilespmem:s15+$0xFFFFFE90]  }
0x20a: {  	[tilespmem:$0x1F8E0] =	vst v1;
	vm0 =	vlt.f32 v14, v10;
	v1 =	vimm.s32 $0x0  }
0x20b: {  	v1 =	vsel vm0, $0xFFFFFFFF, v1;
	v10 =	vsel vm0, v14, v10;
	v14 =	vld [tilespmem:s15+$0xFFFFFEA0]  }
0x20c: {  	[tilespmem:$0x1F8F0] =	vst v1;
	vm0 =	vlt.f32 v12, v10;
	v1 =	vimm.s32 $0x0  }
0x20d: {  	v1 =	vsel vm0, $0xFFFFFFFF, v1;
	v10 =	vsel vm0, v12, v10;
	v12 =	vld [tilespmem:s15+$0xFFFFFEB0]  }
0x20e: {  	[tilespmem:$0x1F900] =	vst v1;
	vm0 =	vlt.f32 v13, v10;
	v1 =	vimm.s32 $0x0  }
0x20f: {  	v1 =	vsel vm0, $0xFFFFFFFF, v1;
	v10 =	vsel vm0, v13, v10;
	v13 =	vld [tilespmem:s15+$0xFFFFFEC0]  }
0x210: {  	[tilespmem:$0x1F910] =	vst v1;
	vm0 =	vlt.f32 v14, v10;
	v1 =	vimm.s32 $0x0  }
0x211: {  	v1 =	vsel vm0, $0xFFFFFFFF, v1;
	v10 =	vsel vm0, v14, v10;
	v14 =	vld [tilespmem:s15+$0xFFFFFED0]  }
0x212: {  	[tilespmem:$0x1F920] =	vst v1;
	vm0 =	vlt.f32 v12, v10;
	v1 =	vimm.s32 $0x0  }
0x213: {  	v1 =	vsel vm0, $0xFFFFFFFF, v1;
	v10 =	vsel vm0, v12, v10;
	v12 =	vld [tilespmem:s15+$0xFFFFFEE0]  }
0x214: {  	[tilespmem:$0x1F930] =	vst v1;
	vm0 =	vlt.f32 v13, v10;
	v1 =	vimm.s32 $0x0  }
0x215: {  	v1 =	vsel vm0, $0xFFFFFFFF, v1;
	v10 =	vsel vm0, v13, v10  }
0x216: {  	[tilespmem:$0x1F940] =	vst v1;
	vm0 =	vlt.f32 v14, v10;
	v1 =	vimm.s32 $0x0  }
0x217: {  	v1 =	vsel vm0, $0xFFFFFFFF, v1;
	v10 =	vsel vm0, v14, v10  }
0x218: {  	[tilespmem:$0x1F950] =	vst v1;
	vm0 =	vlt.f32 v12, v10;
	v1 =	vimm.s32 $0x0  }
0x219: {  	v1 =	vsel vm0, $0xFFFFFFFF, v1  }
0x21a: {  	[tilespmem:$0x1F960] =	vst v1;
	v1 =	vimm.s32 $0x0  }
0x21b: {  	v13 =	vld [tilespmem:s15+$0xFFFFFEF0];
	v1 =	vsel vm2, $0xFFFFFFFF, v1  }
0x21c: {  	[tilespmem:$0x1FA90] =	vst v1;
	v1 =	vld [tilespmem:$0x1FC70];
	_ =	sdelay $0x1  }
0x21d: {  	v15 =	vld [tilespmem:$0x1FC90];
	_ =	sdelay $0x1  }
0x21e: {  	v14 =	vld [tilespmem:s15+$0xFFFFFF00];
	v10 =	vsel vm0, v12, v10  }
0x21f: {  	v12 =	vld [tilespmem:s15+$0xFFFFFF10];
	vm0 =	vlt.f32 v13, v10;
	vm2 =	vnez.u8 v1;
	v1 =	vimm.s32 $0x0  }
0x220: {  	v10 =	vsel vm0, v13, v10;
	v13 =	vld [tilespmem:s15+$0xFFFFFF20];
	v1 =	vsel vm0, $0xFFFFFFFF, v1  }
0x221: {  	v11 =	vsel vm2, v28, v11;
	vm2 =	vnez.u8 v15;
	v15 =	vld [tilespmem:$0x1FED0];
	[tilespmem:$0x1F970] =	vst v1  }
0x222: {  	v1 =	vld [tilespmem:$0x1FF00];
	[tilespmem:$0x1F890] =	vst v0  }
0x223: {  	v0 =	vld [tilespmem:$0x1FCB0];
	_ =	sdelay $0x4  }
0x224: {  	v11 =	vsel vm2, v1, v11;
	vm2 =	vnez.u8 v0;
	v0 =	vld [tilespmem:$0x1F890];
	_ =	sdelay $0x1  }
0x225: {  	vm0 =	vlt.f32 v14, v10;
	v11 =	vsel vm2, v15, v11;
	v15 =	vimm.s32 $0x0  }
0x226: {  	v15 =	vsel vm0, $0xFFFFFFFF, v15  }
0x227: {  	[tilespmem:$0x1F980] =	vst v15  }
0x228: {  	v15 =	vld [tilespmem:$0x1FEE0];
	[tilespmem:$0x1F890] =	vst v0  }
0x229: {  	v0 =	vld [tilespmem:$0x1FCC0];
	_ =	sdelay $0x4  }
0x22a: {  	v10 =	vsel vm0, v14, v10;
	vm2 =	vnez.u8 v0  }
0x22b: {  	vm0 =	vlt.f32 v12, v10;
	v11 =	vsel vm2, v15, v11;
	v15 =	vimm.s32 $0x0  }
0x22c: {  	v0 =	vld [tilespmem:$0x1F890];
	v15 =	vsel vm0, $0xFFFFFFFF, v15  }
0x22d: {  	[tilespmem:$0x1F990] =	vst v15;
	v15 =	vld [tilespmem:$0x1FEF0];
	_ =	sdelay $0x3  }
0x22e: {  	v11 =	vsel vm7, v0, v11  }
0x22f: {  	v11 =	vsel vm9, v15, v11;
	v15 =	vld [tilespmem:$0x1FCD0];
	_ =	sdelay $0x3  }
0x230: {  	v10 =	vsel vm0, v12, v10  }
0x231: {  	vm0 =	vlt.f32 v13, v10;
	vm9 =	vnez.u8 v15;
	v15 =	vimm.s32 $0x0  }
0x232: {  	v15 =	vsel vm0, $0xFFFFFFFF, v15  }
0x233: {  	[tilespmem:$0x1F9A0] =	vst v15;
	v15 =	vld [tilespmem:$0x1FCE0];
	_ =	sdelay $0x1  }
0x234: {  	v14 =	vld [tilespmem:s15+$0xFFFFFF30];
	_ =	sdelay $0x1  }
0x235: {  	v12 =	vld [tilespmem:s15+$0xFFFFFF40]  }
0x236: {  	v11 =	vsel vm9, v27, v11;
	vm7 =	vnez.u8 v15  }
0x237: {  	v10 =	vsel vm0, v13, v10;
	v11 =	vsel vm7, v30, v11  }
0x238: {  	v11 =	vsel vm6, v31, v11;
	vm6 =	vlt.f32 v14, v10  }
0x239: {  	v10 =	vsel vm6, v14, v10  }
0x23a: {  	v15 =	vimm.s32 $0x0;
	vm9 =	vlt.f32 v12, v10  }
0x23b: {  	v15 =	vsel vm9, $0xFFFFFFFF, v15  }
0x23c: {  	[tilespmem:$0x1F9B0] =	vst v15;
	v15 =	vld [tilespmem:$0x1FCF0];
	_ =	sdelay $0x3  }
0x23d: {  	v13 =	vld [tilespmem:s15+$0xFFFFFF50]  }
0x23e: {  	v11 =	vsel vm14, v32, v11;
	vm14 =	vnez.u8 v15;
	v15 =	vld [tilespmem:$0x1FD00];
	_ =	sdelay $0x2  }
0x23f: {  	v14 =	vld [tilespmem:s15+$0xFFFFFF60]  }
0x240: {  	v11 =	vsel vm15, v33, v11;
	v10 =	vsel vm9, v12, v10  }
0x241: {  	vm0 =	vlt.f32 v13, v10;
	vm15 =	vnez.u8 v15;
	v15 =	vimm.s32 $0x0  }
0x242: {  	v15 =	vsel vm0, $0xFFFFFFFF, v15  }
0x243: {  	v12 =	vld [tilespmem:s15+$0xFFFFFF70];
	v10 =	vsel vm0, v13, v10;
	[tilespmem:$0x1F9C0] =	vst v15  }
0x244: {  	v13 =	vld [tilespmem:s15+$0xFFFFFF80];
	vm0 =	vlt.f32 v14, v10;
	[tilespmem:$0x1F890] =	vst v0;
	v0 =	vimm.s32 $0x0  }
0x245: {  	v0 =	vsel vm0, $0xFFFFFFFF, v0  }
0x246: {  	[tilespmem:$0x1F9D0] =	vst v0  }
0x247: {  	v0 =	vld [tilespmem:$0x1F890];
	_ =	sdelay $0x4  }
0x248: {  	[tilespmem:$0x1F890] =	vst v0  }
0x249: {  	v0 =	vld [tilespmem:$0x1F880]  }
0x24a: {  	v11 =	vsel vm14, v34, v11  }
0x24b: {  	v11 =	vsel vm15, v35, v11  }
0x24c: {  	v11 =	vsel vm5, v36, v11;
	v15 =	vlaneseq.u32  }
0x24d: {  	v10 =	vsel vm0, v14, v10;
	v15 =	vnsel vm1, $0x0, v15;
	vm0 =	vlt.f32 v8, v9  }
0x24e: {  	vm7 =	vlt.f32 v12, v10;
	v8 =	vsel vm0, v8, v9;
	vm5 =	vnez.u8 v0;
	v0 =	vld [tilespmem:$0x1F890]  }
0x24f: {  	v9 =	vsel vm7, v12, v10;
	v12 =	vld [tilespmem:$0x1FD40];
	v15 =	vsel vm5, v58, v15;
	v58 =	vimm.s32 $0x0  }
0x250: {  	v58 =	vsel vm7, $0xFFFFFFFF, v58  }
0x251: {  	vm9 =	vlt.f32 v13, v9;
	v14 =	vld [tilespmem:s15+$0xFFFFFF90];
	[tilespmem:$0x1F9E0] =	vst v58;
	v58 =	vimm.s32 $0x0  }
0x252: {  	v11 =	vsel vm11, v37, v11;
	v10 =	vld [tilespmem:s15+$0xFFFFFFA0];
	[tilespmem:$0x1F8B0] =	vst v15;
	v58 =	vsel vm9, $0xFFFFFFFF, v58  }
0x253: {  	v11 =	vsel vm10, v38, v11;
	v15 =	vld [tilespmem:s12+$0x80];
	[tilespmem:$0x1F9F0] =	vst v58  }
0x254: {  	v11 =	vsel vm8, v39, v11;
	vm8 =	vnez.u8 v12;
	v12 =	vld [tilespmem:s12+$0x90];
	[tilespmem:$0x1F890] =	vst v0  }
0x255: {  	v0 =	vld [tilespmem:$0x1FD60];
	_ =	sdelay $0x2  }
0x256: {  	vm1 =	vlt.f32 v7, v8  }
0x257: {  	v11 =	vsel vm12, v40, v11;
	v7 =	vsel vm1, v7, v8  }
0x258: {  	v8 =	vsel vm9, v13, v9;
	v11 =	vsel vm8, v41, v11;
	vm10 =	vnez.u8 v0  }
0x259: {  	vm12 =	vlt.f32 v14, v8;
	v58 =	vmovc v42;
	v11 =	vsel vm10, v42, v11;
	v42 =	vimm.s32 $0x0  }
0x25a: {  	v0 =	vld [tilespmem:$0x1F890];
	v42 =	vsel vm12, $0xFFFFFFFF, v42  }
0x25b: {  	[tilespmem:$0x1FA00] =	vst v42;
	v42 =	vld [tilespmem:$0x1FD90];
	_ =	sdelay $0x4  }
0x25c: {  	vm2 =	vlt.f32 v6, v7;
	vm14 =	vnez.u8 v42;
	v42 =	vimm.s32 $0x0  }
0x25d: {  	v6 =	vsel vm2, v6, v7;
	v7 =	vsel vm12, v14, v8;
	v42 =	vsel vm3, $0xFFFFFFFF, v42  }
0x25e: {  	vm7 =	vlt.f32 v10, v7;
	[tilespmem:$0x1FAB0] =	vst v42;
	v42 =	vimm.s32 $0x0  }
0x25f: {  	v42 =	vsel vm7, $0xFFFFFFFF, v42  }
0x260: {  	[tilespmem:$0x1FA10] =	vst v42;
	v42 =	vld [tilespmem:$0x1FDB0]  }
0x261: {  	v13 =	vld [tilespmem:$0x1FD80]  }
0x262: {  	v9 =	vld [tilespmem:s15+$0xFFFFFFB0];
	_ =	sdelay $0x2  }
0x263: {  	vm15 =	vnez.u8 v42;
	v42 =	vimm.s32 $0x0  }
0x264: {  	v7 =	vsel vm7, v10, v7;
	v8 =	vld [tilespmem:s15+$0xFFFFFFC0];
	vm11 =	vnez.u8 v13;
	v42 =	vsel vm4, $0xFFFFFFFF, v42  }
0x265: {  	v13 =	vld [tilespmem:s12+$0xA0];
	vm3 =	vlt.f32 v15, v6;
	vm7 =	vlt.f32 v9, v7;
	[tilespmem:$0x1FAA0] =	vst v42;
	v42 =	vimm.s32 $0x0  }
0x266: {  	v6 =	vsel vm3, v15, v6;
	v15 =	vld [tilespmem:$0x1FDC0];
	v42 =	vsel vm7, $0xFFFFFFFF, v42  }
0x267: {  	vm9 =	vlt.f32 v12, v6;
	[tilespmem:$0x1FA20] =	vst v42;
	v42 =	vld [tilespmem:$0x1FDE0]  }
0x268: {  	v11 =	vsel vm11, v43, v11;
	v6 =	vsel vm9, v12, v6;
	v12 =	vld [tilespmem:$0x1FE00]  }
0x269: {  	v14 =	vld [tilespmem:s12+$0xB0];
	v11 =	vsel vm14, v44, v11  }
0x26a: {  	v10 =	vld [tilespmem:s15+$0xFFFFFFD0];
	v11 =	vsel vm13, v45, v11  }
0x26b: {  	v7 =	vsel vm7, v9, v7;
	vm8 =	vnez.u8 v15;
	v11 =	vsel vm15, v46, v11  }
0x26c: {  	v9 =	vld [tilespmem:s15+$0xFFFFFFE0];
	vm12 =	vlt.f32 v13, v6;
	v11 =	vsel vm8, v47, v11;
	vm10 =	vnez.u8 v42  }
0x26d: {  	v15 =	vld [tilespmem:s12+$0xC0];
	vm11 =	vnez.u8 v12;
	vm7 =	vlt.f32 v8, v7;
	v11 =	vsel vm10, v48, v11  }
0x26e: {  	v6 =	vsel vm12, v13, v6;
	v7 =	vsel vm7, v8, v7;
	v8 =	vld [tilespmem:s15+$0xFFFFFFF0];
	v11 =	vsel vm11, v49, v11  }
0x26f: {  	vm13 =	vlt.f32 v14, v6;
	vm14 =	vlt.f32 v10, v7;
	v11 =	vsel vm0, v50, v11  }
0x270: {  	v7 =	vsel vm14, v10, v7;
	v10 =	vld [tilespmem:s15+$0x0];
	v42 =	vimm.s32 $0x0;
	v11 =	vsel vm1, v51, v11  }
0x271: {  	v42 =	vsel vm7, $0xFFFFFFFF, v42;
	vm7 =	vlt.f32 v9, v7;
	v11 =	vsel vm2, v52, v11  }
0x272: {  	v6 =	vsel vm13, v14, v6;
	v7 =	vsel vm7, v9, v7;
	v9 =	vld [tilespmem:s15+$0x10];
	v11 =	vsel vm3, v53, v11  }
0x273: {  	v12 =	vld [tilespmem:s12+$0xD0];
	vm15 =	vlt.f32 v15, v6;
	v11 =	vsel vm9, v54, v11;
	vm9 =	vlt.f32 v8, v7  }
0x274: {  	v6 =	vsel vm15, v15, v6;
	[tilespmem:$0x1FA30] =	vst v42;
	v42 =	vimm.s32 $0x0;
	v7 =	vsel vm9, v8, v7  }
0x275: {  	v13 =	vld [tilespmem:s12+$0xE0];
	v15 =	vimm.s32 $0x0;
	v42 =	vsel vm14, $0xFFFFFFFF, v42;
	vm14 =	vlt.f32 v10, v7  }
0x276: {  	v15 =	vsel vm9, $0xFFFFFFFF, v15;
	v7 =	vsel vm14, v10, v7  }
0x277: {  	v14 =	vld [tilespmem:s12+$0xF0];
	v11 =	vsel vm12, v55, v11;
	[tilespmem:$0x1FA60] =	vst v15;
	v15 =	vimm.s32 $0x0;
	vm12 =	vlt.f32 v9, v7  }
0x278: {  	vm8 =	vlt.f32 v12, v6;
	v15 =	vsel vm12, $0xFFFFFFFF, v15  }
0x279: {  	v6 =	vsel vm8, v12, v6;
	[tilespmem:$0x1FA70] =	vst v15;
	v15 =	vld [tilespmem:$0x1F8A0]  }
0x27a: {  	vm10 =	vlt.f32 v13, v6  }
0x27b: {  	v6 =	vsel vm10, v13, v6  }
0x27c: {  	vm11 =	vlt.f32 v14, v6  }
0x27d: {  	v6 =	vsel vm11, v14, v6;
	v14 =	vld [tilespmem:$0x1F8C0]  }
0x27e: {  	v11 =	vsel vm13, v56, v11;
	vm13 =	vnez.u8 v15;
	v15 =	vld [tilespmem:$0x1F8B0]  }
0x27f: {  	v8 =	vld [tilespmem:s15+$0x20];
	_ =	sdelay $0x2  }
0x280: {  	v11 =	vsel vm15, v57, v11  }
0x281: {  	vm15 =	vnez.u8 v14;
	v7 =	vsel vm12, v9, v7;
	v15 =	vsel vm13, v21, v15  }
0x282: {  	vm4 =	vlt.f32 v8, v7;
	v14 =	vsel vm15, v22, v15;
	v15 =	vimm.s32 $0x0  }
0x283: {  	v12 =	vld [tilespmem:s12+$0x100];
	v15 =	vsel vm4, $0xFFFFFFFF, v15  }
0x284: {  	[tilespmem:$0x1FA80] =	vst v15;
	v15 =	vld [tilespmem:$0x1F8D0];
	_ =	sdelay $0x3  }
0x285: {  	v13 =	vld [tilespmem:s12+$0x110];
	[tilespmem:$0x1FA40] =	vst v42;
	v42 =	vimm.s32 $0x0  }
0x286: {  	v42 =	vsel vm7, $0xFFFFFFFF, v42;
	vm7 =	vlt.f32 v12, v6;
	vm5 =	vnez.u8 v15;
	v15 =	vld [tilespmem:$0x1F8E0]  }
0x287: {  	v6 =	vsel vm7, v12, v6;
	v12 =	vld [tilespmem:$0x1F8F0]  }
0x288: {  	v11 =	vsel vm8, v16, v11  }
0x289: {  	v11 =	vsel vm10, v60, v11  }
0x28a: {  	v11 =	vsel vm11, v18, v11;
	vm11 =	vlt.f32 v13, v6  }
0x28b: {  	v6 =	vsel vm11, v13, v6;
	v13 =	vld [tilespmem:$0x1F920];
	v14 =	vsel vm5, v23, v14;
	vm8 =	vnez.u8 v15  }
0x28c: {  	vm9 =	vnez.u8 v12;
	v14 =	vsel vm8, v20, v14  }
0x28d: {  	v12 =	vsel vm9, v25, v14;
	v14 =	vld [tilespmem:$0x1F900]  }
0x28e: {  	[tilespmem:$0x1FA50] =	vst v42;
	v42 =	vmov v16;
	v16 =	vld [tilespmem:$0x1F910];
	_ =	sdelay $0x1  }
0x28f: {  	v7 =	vsel vm4, v8, v7;
	vm4 =	vnez.u8 v13;
	v13 =	vld [tilespmem:$0x1F930];
	_ =	sdelay $0x1  }
0x290: {  	vm10 =	vnez.u8 v14  }
0x291: {  	vm13 =	vnez.u8 v16;
	v12 =	vsel vm10, v24, v12  }
0x292: {  	v12 =	vsel vm13, v29, v12  }
0x293: {  	vm5 =	vnez.u8 v13;
	v12 =	vsel vm4, v28, v12  }
0x294: {  	v12 =	vsel vm5, v1, v12;
	v1 =	vld [tilespmem:$0x1F940]  }
0x295: {  	v10 =	vld [tilespmem:s15+$0x30];
	_ =	sdelay $0x1  }
0x296: {  	v9 =	vld [tilespmem:s15+$0x40]  }
0x297: {  	v20 =	vld [tilespmem:$0x1FE10]  }
0x298: {  	vm10 =	vnez.u8 v1;
	v1 =	vld [tilespmem:$0x1F950]  }
0x299: {  	v8 =	vld [tilespmem:s15+$0x50];
	vm12 =	vlt.f32 v10, v7  }
0x29a: {  	v7 =	vsel vm12, v10, v7;
	v10 =	vld [tilespmem:s15+$0x60]  }
0x29b: {  	v23 =	vld [tilespmem:$0x1FED0]  }
0x29c: {  	v11 =	vsel vm7, v19, v11;
	v25 =	vld [tilespmem:$0x1FEE0]  }
0x29d: {  	v11 =	vsel vm11, v20, v11;
	vm11 =	vnez.u8 v1;
	v1 =	vld [tilespmem:$0x1F960]  }
0x29e: {  	vm15 =	vlt.f32 v9, v7  }
0x29f: {  	v7 =	vsel vm15, v9, v7  }
0x2a0: {  	vm13 =	vlt.f32 v8, v7  }
0x2a1: {  	v15 =	vld [tilespmem:s12+$0x120];
	v7 =	vsel vm13, v8, v7;
	v12 =	vsel vm10, v23, v12  }
0x2a2: {  	v22 =	vmovc v28;
	v28 =	vld [tilespmem:$0x1FE20];
	vm9 =	vlt.f32 v10, v7;
	v12 =	vsel vm11, v25, v12;
	vm4 =	vnez.u8 v1  }
0x2a3: {  	v7 =	vsel vm9, v10, v7;
	v10 =	vsel vm4, v0, v12;
	v0 =	vld [tilespmem:$0x1F970];
	_ =	sdelay $0x3  }
0x2a4: {  	vm7 =	vlt.f32 v15, v6  }
0x2a5: {  	v6 =	vsel vm7, v15, v6;
	v11 =	vsel vm7, v28, v11;
	vm7 =	vnez.u8 v0;
	v0 =	vld [tilespmem:$0x1F980];
	_ =	sdelay $0x4  }
0x2a6: {  	vm8 =	vnez.u8 v0;
	v0 =	vld [tilespmem:$0x1F990];
	_ =	sdelay $0x1  }
0x2a7: {  	v21 =	vld [tilespmem:$0x1FEF0]  }
0x2a8: {  	v16 =	vld [tilespmem:$0x1FE30]  }
0x2a9: {  	v14 =	vld [tilespmem:s12+$0x130]  }
0x2aa: {  	vm11 =	vnez.u8 v0;
	v0 =	vld [tilespmem:$0x1F9A0]  }
0x2ab: {  	v9 =	vld [tilespmem:s15+$0x70];
	_ =	sdelay $0x1  }
0x2ac: {  	v8 =	vld [tilespmem:s15+$0x80]  }
0x2ad: {  	vm5 =	vlt.f32 v14, v6  }
0x2ae: {  	v6 =	vsel vm5, v14, v6;
	v11 =	vsel vm5, v16, v11;
	vm5 =	vnez.u8 v0;
	v0 =	vld [tilespmem:$0x1F9B0]  }
0x2af: {  	vm10 =	vlt.f32 v9, v7;
	v10 =	vsel vm7, v21, v10  }
0x2b0: {  	v7 =	vsel vm10, v9, v7;
	v10 =	vsel vm8, v27, v10  }
0x2b1: {  	vm7 =	vlt.f32 v8, v7;
	v10 =	vsel vm11, v30, v10  }
0x2b2: {  	v7 =	vsel vm7, v8, v7;
	v8 =	vsel vm5, v31, v10  }
0x2b3: {  	v8 =	vsel vm6, v32, v8;
	vm6 =	vnez.u8 v0;
	v0 =	vld [tilespmem:$0x1F9C0]  }
0x2b4: {  	v13 =	vld [tilespmem:s12+$0x140]  }
0x2b5: {  	v12 =	vld [tilespmem:s12+$0x150]  }
0x2b6: {  	v30 =	vld [tilespmem:$0x1FE40]  }
0x2b7: {  	v31 =	vld [tilespmem:$0x1FE50]  }
0x2b8: {  	v8 =	vsel vm6, v33, v8;
	vm6 =	vnez.u8 v0;
	v0 =	vld [tilespmem:$0x1F9D0];
	_ =	sdelay $0x1  }
0x2b9: {  	vm4 =	vlt.f32 v13, v6  }
0x2ba: {  	v6 =	vsel vm4, v13, v6  }
0x2bb: {  	vm11 =	vlt.f32 v12, v6;
	v11 =	vsel vm4, v30, v11  }
0x2bc: {  	v6 =	vsel vm11, v12, v6;
	v11 =	vsel vm11, v31, v11;
	vm11 =	vnez.u8 v0;
	v0 =	vld [tilespmem:$0x1F9E0];
	_ =	sdelay $0x4  }
0x2bd: {  	vm4 =	vnez.u8 v0;
	v0 =	vld [tilespmem:$0x1F9F0];
	_ =	sdelay $0x2  }
0x2be: {  	v10 =	vld [tilespmem:s12+$0x160];
	v8 =	vsel vm6, v34, v8  }
0x2bf: {  	v32 =	vld [tilespmem:$0x1FE60];
	v8 =	vsel vm11, v35, v8  }
0x2c0: {  	v8 =	vsel vm4, v36, v8;
	vm4 =	vnez.u8 v0;
	v0 =	vld [tilespmem:$0x1FA00];
	_ =	sdelay $0x3  }
0x2c1: {  	vm11 =	vlt.f32 v10, v6  }
0x2c2: {  	v6 =	vsel vm11, v10, v6;
	v10 =	vsel vm11, v32, v11;
	vm11 =	vnez.u8 v0;
	v0 =	vld [tilespmem:$0x1FA10];
	_ =	sdelay $0x4  }
0x2c3: {  	v8 =	vsel vm4, v37, v8;
	vm4 =	vnez.u8 v0;
	v0 =	vld [tilespmem:$0x1FA20];
	_ =	sdelay $0x4  }
0x2c4: {  	v8 =	vsel vm11, v38, v8;
	vm11 =	vnez.u8 v0;
	v0 =	vld [tilespmem:$0x1FA30];
	_ =	sdelay $0x3  }
0x2c5: {  	v8 =	vsel vm4, v39, v8  }
0x2c6: {  	v8 =	vsel vm11, v40, v8;
	vm11 =	vnez.u8 v0;
	v0 =	vld [tilespmem:$0x1FA40];
	_ =	sdelay $0x1  }
0x2c7: {  	v15 =	vld [tilespmem:s15+$0x90];
	_ =	sdelay $0x1  }
0x2c8: {  	v9 =	vld [tilespmem:s15+$0xA0]  }
0x2c9: {  	v8 =	vsel vm11, v41, v8;
	vm11 =	vnez.u8 v0;
	v0 =	vld [tilespmem:$0x1FA50]  }
0x2ca: {  	v14 =	vld [tilespmem:s15+$0xB0]  }
0x2cb: {  	v13 =	vld [tilespmem:s15+$0xC0];
	vm8 =	vlt.f32 v15, v7  }
0x2cc: {  	v7 =	vsel vm8, v15, v7;
	v15 =	vld [tilespmem:s12+$0x170]  }
0x2cd: {  	v12 =	vld [tilespmem:s15+$0xE0];
	vm5 =	vlt.f32 v9, v7  }
0x2ce: {  	v7 =	vsel vm5, v9, v7;
	v8 =	vsel vm11, v58, v8;
	vm11 =	vnez.u8 v0;
	v0 =	vld [tilespmem:$0x1FA60]  }
0x2cf: {  	v9 =	vld [tilespmem:s15+$0xD0];
	vm6 =	vlt.f32 v14, v7  }
0x2d0: {  	v34 =	vld [tilespmem:$0x1FE70];
	v7 =	vsel vm6, v14, v7  }
0x2d1: {  	v14 =	vld [tilespmem:s12+$0x180];
	vm3 =	vlt.f32 v13, v7  }
0x2d2: {  	v7 =	vsel vm3, v13, v7;
	v13 =	vld [tilespmem:s12+$0x190]  }
0x2d3: {  	v8 =	vsel vm11, v43, v8;
	vm11 =	vnez.u8 v0;
	v0 =	vld [tilespmem:$0x1FA70]  }
0x2d4: {  	v35 =	vld [tilespmem:$0x1FE80]  }
0x2d5: {  	v11 =	vld [tilespmem:s15+$0xF0];
	vm0 =	vlt.f32 v15, v6  }
0x2d6: {  	v6 =	vsel vm0, v15, v6;
	v15 =	vld [tilespmem:s15+$0x110];
	vm4 =	vlt.f32 v9, v7  }
0x2d7: {  	v10 =	vsel vm0, v34, v10;
	v7 =	vsel vm4, v9, v7;
	v9 =	vld [tilespmem:s15+$0x100]  }
0x2d8: {  	vm0 =	vlt.f32 v14, v6;
	v8 =	vsel vm11, v44, v8;
	vm11 =	vnez.u8 v0;
	v0 =	vld [tilespmem:$0x1FA80]  }
0x2d9: {  	v6 =	vsel vm0, v14, v6;
	v14 =	vld [tilespmem:s15+$0x120];
	vm2 =	vlt.f32 v12, v7  }
0x2da: {  	v7 =	vsel vm2, v12, v7;
	v41 =	vmov v58;
	v58 =	vld [tilespmem:$0x1FE90]  }
0x2db: {  	v10 =	vsel vm0, v35, v10;
	vm0 =	vlt.f32 v13, v6;
	v12 =	vld [tilespmem:s12+$0x1A0];
	vm1 =	vlt.f32 v11, v7  }
0x2dc: {  	v6 =	vsel vm0, v13, v6;
	v13 =	vld [tilespmem:s15+$0x140];
	v7 =	vsel vm1, v11, v7;
	v8 =	vsel vm14, v45, v8  }
0x2dd: {  	v11 =	vld [tilespmem:s12+$0x1B0];
	vm14 =	vlt.f32 v9, v7;
	v8 =	vsel vm11, v46, v8;
	vm11 =	vnez.u8 v0  }
0x2de: {  	v7 =	vsel vm14, v9, v7;
	v9 =	vld [tilespmem:s15+$0x130];
	v8 =	vsel vm11, v47, v8  }
0x2df: {  	v10 =	vsel vm0, v58, v10;
	v0 =	vld [tilespmem:$0x1FEA0];
	vm11 =	vlt.f32 v15, v7;
	v8 =	vsel vm12, v48, v8  }
0x2e0: {  	vm0 =	vlt.f32 v12, v6;
	v7 =	vsel vm11, v15, v7;
	v15 =	vld [tilespmem:s12+$0x1C0];
	v8 =	vsel vm15, v49, v8  }
0x2e1: {  	v1 =	vld [tilespmem:$0x1FEB0];
	v6 =	vsel vm0, v12, v6;
	vm12 =	vlt.f32 v14, v7;
	v8 =	vsel vm13, v50, v8  }
0x2e2: {  	v12 =	vld [tilespmem:s15+$0x150];
	vm15 =	vlt.f32 v11, v6;
	v7 =	vsel vm12, v14, v7;
	v8 =	vsel vm9, v51, v8  }
0x2e3: {  	v14 =	vld [tilespmem:s12+$0x1D0];
	v6 =	vsel vm15, v11, v6;
	vm9 =	vlt.f32 v9, v7;
	v8 =	vsel vm10, v52, v8  }
0x2e4: {  	v10 =	vsel vm0, v0, v10;
	v7 =	vsel vm9, v9, v7;
	v9 =	vld [tilespmem:s15+$0x160];
	v8 =	vsel vm7, v53, v8  }
0x2e5: {  	v11 =	vld [tilespmem:s15+$0x170];
	vm7 =	vlt.f32 v13, v7;
	v8 =	vsel vm8, v54, v8;
	vm8 =	vlt.f32 v15, v6  }
0x2e6: {  	v10 =	vsel vm15, v1, v10;
	v7 =	vsel vm7, v13, v7;
	v13 =	vld [tilespmem:s12+$0x1E0];
	v6 =	vsel vm8, v15, v6  }
0x2e7: {  	v8 =	vsel vm5, v55, v8;
	vm5 =	vlt.f32 v12, v7;
	v10 =	vsel vm8, v17, v10  }
0x2e8: {  	v15 =	vld [tilespmem:s15+$0x180];
	v8 =	vsel vm6, v56, v8;
	v7 =	vsel vm5, v12, v7;
	vm10 =	vlt.f32 v14, v6  }
0x2e9: {  	v12 =	vld [tilespmem:s12+$0x1E8];
	v8 =	vsel vm3, v57, v8;
	vm3 =	vlt.f32 v9, v7;
	v6 =	vsel vm10, v14, v6  }
0x2ea: {  	v10 =	vsel vm10, v26, v10;
	v8 =	vsel vm4, v42, v8;
	v7 =	vsel vm3, v9, v7;
	v9 =	vld [tilespmem:s15+$0x190]  }
0x2eb: {  	v27 =	vld [tilespmem:$0x1FEC0];
	v8 =	vsel vm2, v60, v8;
	vm0 =	vlt.f32 v11, v7;
	vm13 =	vlt.f32 v13, v6  }
0x2ec: {  	v8 =	vsel vm1, v18, v8;
	v7 =	vsel vm0, v11, v7;
	v11 =	vld [tilespmem:s15+$0x1A0];
	v6 =	vsel vm13, v13, v6  }
0x2ed: {  	v10 =	vsel vm13, v2, v10;
	v8 =	vsel vm14, v19, v8;
	vm14 =	vlt.f32 v15, v7  }
0x2ee: {  	vm15 =	vlt.f32 v12, v6;
	v8 =	vsel vm11, v20, v8;
	v7 =	vsel vm14, v15, v7  }
0x2ef: {  	v13 =	vld [tilespmem:s15+$0x1B0];
	v6 =	vsel vm15, v12, v6;
	v8 =	vsel vm12, v28, v8;
	vm8 =	vlt.f32 v9, v7  }
0x2f0: {  	v8 =	vsel vm9, v16, v8;
	v7 =	vsel vm8, v9, v7;
	v9 =	vsel vm15, v27, v10  }
0x2f1: {  	v12 =	vld [tilespmem:s15+$0x1C0];
	v10 =	vperm.xlane v6, v61;
	v8 =	vsel vm7, v30, v8;
	vm10 =	vlt.f32 v11, v7  }
0x2f2: {  	v8 =	vsel vm5, v31, v8;
	v7 =	vsel vm10, v11, v7  }
0x2f3: {  	v14 =	vld [tilespmem:s15+$0x1D0];
	v11 =	vperm.xlane v9, v61;
	vm12 =	veq.f32 v10, v6;
	v8 =	vsel vm3, v32, v8  }
0x2f4: {  	vm15 =	vlt.f32 v10, v6;
	vm11 =	vlt.f32 v13, v7;
	v8 =	vsel vm0, v34, v8  }
0x2f5: {  	v7 =	vsel vm11, v13, v7;
	v13 =	vld [tilespmem:s15+$0x1E0];
	vm13 =	vlt.s32 v11, v9;
	v8 =	vsel vm14, v35, v8  }
0x2f6: {  	vm14 =	vlt.f32 v12, v7;
	vm0 =	vmand vm12, vm13;
	v8 =	vsel vm8, v58, v8  }
0x2f7: {  	v7 =	vsel vm14, v12, v7;
	v12 =	vld [tilespmem:s15+$0x1E8];
	vm0 =	vmor vm15, vm0;
	v8 =	vsel vm10, v0, v8  }
0x2f8: {  	vm8 =	vlt.f32 v14, v7;
	v6 =	vsel vm0, v10, v6;
	v9 =	vsel vm0, v11, v9  }
0x2f9: {  	v7 =	vsel vm8, v14, v7;
	v8 =	vsel vm11, v1, v8;
	v10 =	vperm.xlane v6, v62  }
0x2fa: {  	v0 =	vld [tilespmem:$0x1FA90];
	v11 =	vperm.xlane v9, v62;
	v8 =	vsel vm14, v17, v8;
	vm9 =	vlt.f32 v13, v7  }
0x2fb: {  	v8 =	vsel vm8, v26, v8;
	v7 =	vsel vm9, v13, v7;
	vm11 =	veq.f32 v10, v6  }
0x2fc: {  	vm12 =	vlt.s32 v11, v9;
	v8 =	vsel vm9, v2, v8;
	vm10 =	vlt.f32 v12, v7  }
0x2fd: {  	vm13 =	vlt.f32 v10, v6;
	v7 =	vsel vm10, v12, v7;
	v8 =	vsel vm10, v27, v8  }
0x2fe: {  	vm0 =	vmand vm11, vm12;
	v12 =	vperm.xlane v7, v61;
	v13 =	vperm.xlane v8, v61  }
0x2ff: {  	vm0 =	vmor vm13, vm0;
	vm13 =	vnez.u8 v0;
	v0 =	vld [tilespmem:$0x1FAA0]  }
0x300: {  	vm14 =	veq.f32 v12, v7;
	vm15 =	vlt.s32 v13, v8  }
0x301: {  	v6 =	vsel vm0, v10, v6;
	vm6 =	vlt.f32 v12, v7;
	vm1 =	vmand vm14, vm15  }
0x302: {  	v9 =	vsel vm0, v11, v9;
	v10 =	vperm.xlane v6, v63;
	vm1 =	vmor vm6, vm1  }
0x303: {  	v7 =	vsel vm1, v12, v7;
	v8 =	vsel vm1, v13, v8;
	v13 =	vperm.xlane v9, v63  }
0x304: {  	vm14 =	vnez.u8 v0;
	v0 =	vld [tilespmem:$0x1FAB0];
	v11 =	vperm.xlane v7, v62;
	v12 =	vperm.xlane v8, v62  }
0x305: {  	vm7 =	veq.f32 v10, v6;
	vm12 =	vlt.f32 v10, v6  }
0x306: {  	vm10 =	vlt.s32 v13, v9;
	vm8 =	veq.f32 v11, v7;
	vm9 =	vlt.s32 v12, v8  }
0x307: {  	vm11 =	vlt.f32 v11, v7;
	vm0 =	vmand vm7, vm10;
	vm1 =	vmand vm8, vm9  }
0x308: {  	vm0 =	vmor vm12, vm0;
	vm1 =	vmor vm11, vm1  }
0x309: {  	vm10 =	vnez.u8 v0;
	v7 =	vsel vm1, v11, v7;
	v8 =	vsel vm1, v12, v8  }
0x30a: {  	v20 =	vld [tilespmem:$0x1FFB0];
	v6 =	vsel vm0, v10, v6;
	v10 =	vperm.xlane v7, v63;
	v11 =	vperm.xlane v8, v63  }
0x30b: {  	v28 =	vld [tilespmem:$0x1FFF0];
	v9 =	vsel vm0, v13, v9;
	vm1 =	vmor vm14, vm13;
	v12 =	vperm.xlane v6, v59  }
0x30c: {  	v30 =	vld [tilespmem:$0x1FF10];
	v13 =	vperm.xlane v9, v59;
	vm15 =	veq.f32 v10, v7;
	vm4 =	vlt.s32 v11, v8  }
0x30d: {  	v31 =	vld [tilespmem:$0x1FF20];
	v4 =	vsel vm1, v5, v4;
	vm5 =	vlt.f32 v10, v7;
	vm0 =	vmand vm15, vm4  }
0x30e: {  	v32 =	vld [tilespmem:$0x1FF30];
	vm6 =	veq.f32 v12, v6;
	vm7 =	vlt.s32 v13, v9;
	vm0 =	vmor vm5, vm0  }
0x30f: {  	v34 =	vld [tilespmem:$0x1FFD0];
	vm9 =	vlt.f32 v12, v6;
	v5 =	vsel vm0, v10, v7;
	v36 =	vsel vm0, v11, v8  }
0x310: {  	v35 =	vld [tilespmem:$0x1FF50];
	vm8 =	vmand vm6, vm7;
	v58 =	vperm.xlane v5, v59;
	v8 =	vperm.xlane v36, v59  }
0x311: {  	v15 =	vlaneseq.u32;
	v14 =	vmovc v21;
	v21 =	vld [tilespmem:$0x1FF80];
	v3 =	vsel vm10, v4, v3;
	vm0 =	vmor vm9, vm8  }
0x312: {  	v1 =	vld [tilespmem:$0x1FFC0];
	v4 =	vsel vm0, v13, v9;
	vm11 =	veq.f32 v58, v5;
	vm12 =	vlt.s32 v8, v36  }
0x313: {  	s10 =	sadd.s32 $0x1, s10;
	v12 =	vmovc v25;
	v25 =	vld [tilespmem:$0x1FF90];
	vm13 =	vlt.f32 v58, v5;
	v5 =	vmov s14;
	vm0 =	vmand vm11, vm12  }
0x314: {  	p0 =	sne.s32 s10, $0x20;
	v10 =	vld [tilespmem:$0x1FF00];
	vm14 =	veq.s32 v5, v15;
	v5 =	vmov s13;
	vm0 =	vmor vm13, vm0  }
.Ltmp1:
0x315: {  	v11 =	vmovc v23;
	v23 =	vld [tilespmem:$0x1FF70];
	v3 =	vsel vm14, v4, v3;
	vm15 =	veq.s32 v5, v15;
	v4 =	vsel vm0, v8, v36;
	(pc) =	sbr.rel @p0 .LBB2_2-.Ltmp1, $4  }
0x316: {  	v13 =	vld [tilespmem:$0x1FF40];
	v3 =	vsel vm15, v4, v3  }
0x317: {  	v9 =	vmov v22;
	v22 =	vld [tilespmem:$0x1FF60]  }
0x318: {  	v58 =	vld [tilespmem:$0x1FFE0]  }
0x319: {  	v16 =	vmov v42;
	v36 =	vld [tilespmem:$0x1FFA0];
	[tilespmem:s11+$0x3E80] =	vst v3;
	v3 =	vmov v2;
	v2 =	vmov v27  }
0x31a: {  	s9 =	sadd.s32 $0x1, s9  }
0x31b: {  	p0 =	sne.s32 s9, s6  }
.Ltmp2:
0x31c: {  	_ = 	snop;
	(pc) =	sbr.rel @p0 .LBB2_1-.Ltmp2, $4  }
0x31d: {  	[hbm4b:s5+s2] =	stream.linear.scatter [tilespmem:s8], [sflag:$0x1], $0x200, $0x38;
	[tilespmem:$0x4080] =	vst v63  }
0x31e: {  	_ =	swait.ge [sflag:s7], $0x200  }
0x31f: {  	[sflag:s7] =	ssyncset.done $0x0  }
0x320: {  	v0 =	vmov v1;
	[sflag:s7] =	ssyncadd.s32 $0xFFFFFE00  }
0x321: {  	_ =	sfence.sel $0x180000  }
0x322: {  	[bflag:$0x0] =	sbarrier.arrive $0xFFFF  }
0x323: {  	p0 =	sne.s32 s1, $0x0;
	_ =	strace $0x90000047  }
0x324: {  	s0 =	sadd.s32 @!p0 $0x100000, s0;
	[bflag:$0x2] =	sbarrier.arrive $0xFFFF  }
0x325: {  	[sflag:s0] =	ssyncadd.tile.s32 @!p0 $0x1;
	_ =	shalt  }
.Lfunc_end2:
_tile_overlayer_lowered:
.L_overlay_start_2:
0x326: {  	(tag) =	ssettag $0x2  }
0x327: {  	s0 =	rddreg [dreg:$0x0];
	s2 =	stileid.u32  }
0x328: {  	s1 =	rddreg [dreg:$0x1];
	p0 =	sne.s32 s2, $0x0  }
0x329: {  	s3 =	rddreg [dreg:$0x2];
	[bflag:$0x3] =	sbarrier.arrive $0xFFFF;
	s2 =	simm.s32 @!p0 $0x1C01  }
0x32a: {  	[timem:s3], [sflag:s2] =	dma.local @!p0 [hbm:s0], s1  }
0x32b: {  	s0 =	simm.s32 @!p0 $0x1  }
0x32c: {  	_ =	swait.ge @!p0 [sflag:s0], s1  }
0x32d: {  	s1 =	ssub.s32 @!p0 $0x0, s1;
	[sflag:s0] =	ssyncset.done @!p0 $0x0  }
0x32e: {  	[sflag:s0] =	ssyncadd.s32 @!p0 s1  }
0x32f: {  	[bflag:$0x3] =	sbarrier.arrive $0xFFFF  }
0x330: {  	_ =	shalt  }

</sc_bundles>
